<compile_context>
chip_gen: v7x
topology: tpu7x:2x2x1
jax: 0.10.2.dev20260603
libtpu: 0.0.44.dev20260713+nightly
codegen_flags: <defaults>
</compile_context>

<pallas_src>
import functools
import jax
import jax.numpy as jnp
from jax import lax
from jax.experimental import pallas as pl
from jax.experimental.pallas import tpu as pltpu
from jax.experimental.pallas import tpu_sc as plsc

_SQRT_HALF = 0.7071067811865476
_F32_EPS = float(jnp.finfo(jnp.float32).eps)


def _gelu(x):
    return 0.5 * x * (1.0 + lax.erf(x * _SQRT_HALF))


def _proj_kernel(sfeat_ref, w1b_ref, p_ref):
    p_ref[0] = lax.dot(sfeat_ref[0], w1b_ref[...],
                       preferred_element_type=jnp.float32)


def _topk_kernel(xyz_ref, sxyzt_ref, idx_ref, w_ref, *, nb, s_pts):
    b = pl.program_id(0)
    x = xyz_ref[0]
    st = sxyzt_ref[0]
    t = lax.dot(x.astype(jnp.bfloat16), st.astype(jnp.bfloat16),
                preferred_element_type=jnp.float32)
    xn = jnp.sum(x * x, axis=1, keepdims=True)
    dd = jnp.sum(st * st, axis=0, keepdims=True) - 2.0 * t

    iota = lax.broadcasted_iota(jnp.int32, dd.shape, 1)
    idxs = []
    ws = []
    wsum = jnp.zeros((nb, 1), jnp.float32)
    for _ in range(3):
        m = jnp.min(dd, axis=1, keepdims=True)
        e = dd == m
        amin = jnp.min(jnp.where(e, iota, s_pts), axis=1, keepdims=True)
        sel = iota == amin
        w = 1.0 / (jnp.maximum(m + xn, 0.0) + _F32_EPS)
        idxs.append(amin + b * s_pts)
        ws.append(w)
        wsum = wsum + w
        dd = jnp.where(sel, jnp.float32(jnp.inf), dd)
    idx_ref[0] = jnp.concatenate(idxs, axis=1)
    w_ref[0] = jnp.concatenate(ws, axis=1) / wsum


def _make_sc_gather(M, H1, QW, CH):
    NQ3 = QW * 3
    mesh = plsc.VectorSubcoreMesh(core_axis_name="c", subcore_axis_name="s")

    @functools.partial(
        pl.kernel, mesh=mesh,
        out_type=jax.ShapeDtypeStruct((M * H1,), jnp.float32),
        compiler_params=pltpu.CompilerParams(needs_layout_passes=False),
        scratch_types=[
            pltpu.VMEM((NQ3 + 16,), jnp.int32),
            pltpu.VMEM((NQ3 + 16,), jnp.float32),
            pltpu.VMEM((3 * CH, H1), jnp.float32),
            pltpu.VMEM((CH * H1,), jnp.float32),
            pltpu.SemaphoreType.DMA,
        ],
    )
    def sc_gather(idx_hbm, w_hbm, p_hbm, out_hbm, idx_v, w_v, rows_v, o_v, sem):
        nc = 2
        wid = lax.axis_index("s") * nc + lax.axis_index("c")
        qbase = wid * QW
        pltpu.sync_copy(idx_hbm.at[pl.ds(qbase * 3, NQ3)],
                        idx_v.at[pl.ds(0, NQ3)])
        pltpu.sync_copy(w_hbm.at[pl.ds(qbase * 3, NQ3)],
                        w_v.at[pl.ds(0, NQ3)])
        lanes = lax.broadcasted_iota(jnp.int32, (16,), 0)

        def chunk_body(c, carry):
            pltpu.async_copy(
                p_hbm.at[idx_v.at[pl.ds(c * 3 * CH, 3 * CH)]],
                rows_v, sem).wait()

            def q_body(q, carry2):
                woff = c * CH * 3 + q * 3
                w0 = plsc.load_gather(w_v, [jnp.full((16,), woff, jnp.int32)])
                w1 = plsc.load_gather(w_v, [jnp.full((16,), woff + 1, jnp.int32)])
                w2 = plsc.load_gather(w_v, [jnp.full((16,), woff + 2, jnp.int32)])
                r0 = q * 3
                for r in range(H1 // 16):
                    v0 = rows_v[r0, pl.ds(r * 16, 16)]
                    v1 = rows_v[r0 + 1, pl.ds(r * 16, 16)]
                    v2 = rows_v[r0 + 2, pl.ds(r * 16, 16)]
                    o_v[pl.ds(q * H1 + r * 16, 16)] = w0 * v0 + w1 * v1 + w2 * v2
                return carry2

            lax.fori_loop(0, CH, q_body, 0)
            pltpu.sync_copy(
                o_v, out_hbm.at[pl.ds((qbase + c * CH) * H1, CH * H1)])
            return carry

        lax.fori_loop(0, QW // CH, chunk_body, 0)

    return sc_gather


def _h1_kernel(pf_ref, interp_ref, w1t_ref, h1_ref, s1_ref, q1_ref, *, nb):
    i = pl.program_id(0)
    h1 = interp_ref[...] + lax.dot(pf_ref[...].astype(jnp.bfloat16),
                                   w1t_ref[...],
                                   preferred_element_type=jnp.float32)
    h1_ref[...] = h1.astype(jnp.bfloat16)

    @pl.when(i == 0)
    def _init():
        s1_ref[...] = jnp.zeros_like(s1_ref)
        q1_ref[...] = jnp.zeros_like(q1_ref)

    s1_ref[...] += jnp.sum(h1.reshape(nb // 8, 8, h1.shape[1]), axis=0)
    q1_ref[...] += jnp.sum((h1 * h1).reshape(nb // 8, 8, h1.shape[1]), axis=0)


def _bn_gelu_stats_kernel(h_ref, s_ref, q_ref, g_ref, bt_ref, w_ref,
                          s2_ref, q2_ref, *, count, nb):
    i = pl.program_id(0)
    mean = jnp.sum(s_ref[...], axis=0, keepdims=True) / count
    var = jnp.sum(q_ref[...], axis=0, keepdims=True) / count - mean * mean
    scale = g_ref[...] * lax.rsqrt(var + 1e-5)
    x = h_ref[...].astype(jnp.float32)
    xb = (x - mean) * scale + bt_ref[...]
    g = _gelu(xb).astype(jnp.bfloat16)
    h2 = lax.dot(g, w_ref[...], preferred_element_type=jnp.float32)

    @pl.when(i == 0)
    def _init():
        s2_ref[...] = jnp.zeros_like(s2_ref)
        q2_ref[...] = jnp.zeros_like(q2_ref)

    s2_ref[...] += jnp.sum(h2.reshape(nb // 8, 8, h2.shape[1]), axis=0)
    q2_ref[...] += jnp.sum((h2 * h2).reshape(nb // 8, 8, h2.shape[1]), axis=0)


def _final_kernel(h_ref, s_ref, q_ref, g_ref, bt_ref, w_ref,
                  s2_ref, q2_ref, g2_ref, bt2_ref, out_ref, *, count):
    mean = jnp.sum(s_ref[...], axis=0, keepdims=True) / count
    var = jnp.sum(q_ref[...], axis=0, keepdims=True) / count - mean * mean
    scale = g_ref[...] * lax.rsqrt(var + 1e-5)
    x = h_ref[...].astype(jnp.float32)
    xb = (x - mean) * scale + bt_ref[...]
    g = _gelu(xb).astype(jnp.bfloat16)
    h2 = lax.dot(g, w_ref[...], preferred_element_type=jnp.float32)

    mean2 = jnp.sum(s2_ref[...], axis=0, keepdims=True) / count
    var2 = jnp.sum(q2_ref[...], axis=0, keepdims=True) / count - mean2 * mean2
    scale2 = g2_ref[...] * lax.rsqrt(var2 + 1e-5)
    out_ref[...] = _gelu((h2 - mean2) * scale2 + bt2_ref[...])


def kernel(super_xyz, super_point_features, xyz, point_features,
           W1, gamma1, beta1, W2, gamma2, beta2):
    B, S, F = super_point_features.shape
    N = xyz.shape[1]
    C = point_features.shape[2]
    H1 = W1.shape[1]
    H2 = W2.shape[1]
    NB = 1024
    M = B * N
    NB2 = 2048
    NW = 32
    QW = M // NW
    CH = 64

    sxyzt = jnp.transpose(super_xyz, (0, 2, 1))
    w1_top = W1[:C].astype(jnp.bfloat16)
    w1_bot = W1[C:]
    w2_b = W2.astype(jnp.bfloat16)

    P = pl.pallas_call(
        _proj_kernel,
        grid=(B,),
        in_specs=[
            pl.BlockSpec((1, S, F), lambda b: (b, 0, 0)),
            pl.BlockSpec((F, H1), lambda b: (0, 0)),
        ],
        out_specs=pl.BlockSpec((1, S, H1), lambda b: (b, 0, 0)),
        out_shape=jax.ShapeDtypeStruct((B, S, H1), jnp.float32),
    )(super_point_features, w1_bot)

    idx, wq = pl.pallas_call(
        functools.partial(_topk_kernel, nb=NB, s_pts=S),
        grid=(B, N // NB),
        in_specs=[
            pl.BlockSpec((1, NB, 3), lambda b, n: (b, n, 0)),
            pl.BlockSpec((1, 3, S), lambda b, n: (b, 0, 0)),
        ],
        out_specs=[
            pl.BlockSpec((1, NB, 3), lambda b, n: (b, n, 0)),
            pl.BlockSpec((1, NB, 3), lambda b, n: (b, n, 0)),
        ],
        out_shape=[
            jax.ShapeDtypeStruct((B, N, 3), jnp.int32),
            jax.ShapeDtypeStruct((B, N, 3), jnp.float32),
        ],
    )(xyz, sxyzt)

    sc_gather = _make_sc_gather(M, H1, QW, CH)
    interp_flat = sc_gather(idx.reshape(M * 3), wq.reshape(M * 3),
                            P.reshape(B * S, H1))
    interp = interp_flat.reshape(M, H1)

    pf = point_features.reshape(M, C)
    h1f, s1, q1 = pl.pallas_call(
        functools.partial(_h1_kernel, nb=NB2),
        grid=(M // NB2,),
        in_specs=[
            pl.BlockSpec((NB2, C), lambda i: (i, 0)),
            pl.BlockSpec((NB2, H1), lambda i: (i, 0)),
            pl.BlockSpec((C, H1), lambda i: (0, 0)),
        ],
        out_specs=[
            pl.BlockSpec((NB2, H1), lambda i: (i, 0)),
            pl.BlockSpec((8, H1), lambda i: (0, 0)),
            pl.BlockSpec((8, H1), lambda i: (0, 0)),
        ],
        out_shape=[
            jax.ShapeDtypeStruct((M, H1), jnp.bfloat16),
            jax.ShapeDtypeStruct((8, H1), jnp.float32),
            jax.ShapeDtypeStruct((8, H1), jnp.float32),
        ],
    )(pf, interp, w1_top)

    s2, q2 = pl.pallas_call(
        functools.partial(_bn_gelu_stats_kernel, count=float(M), nb=NB2),
        grid=(M // NB2,),
        in_specs=[
            pl.BlockSpec((NB2, H1), lambda i: (i, 0)),
            pl.BlockSpec((8, H1), lambda i: (0, 0)),
            pl.BlockSpec((8, H1), lambda i: (0, 0)),
            pl.BlockSpec((1, H1), lambda i: (0, 0)),
            pl.BlockSpec((1, H1), lambda i: (0, 0)),
            pl.BlockSpec((H1, H2), lambda i: (0, 0)),
        ],
        out_specs=[
            pl.BlockSpec((8, H2), lambda i: (0, 0)),
            pl.BlockSpec((8, H2), lambda i: (0, 0)),
        ],
        out_shape=[
            jax.ShapeDtypeStruct((8, H2), jnp.float32),
            jax.ShapeDtypeStruct((8, H2), jnp.float32),
        ],
    )(h1f, s1, q1, gamma1.reshape(1, H1), beta1.reshape(1, H1), w2_b)

    out = pl.pallas_call(
        functools.partial(_final_kernel, count=float(M)),
        grid=(M // NB2,),
        in_specs=[
            pl.BlockSpec((NB2, H1), lambda i: (i, 0)),
            pl.BlockSpec((8, H1), lambda i: (0, 0)),
            pl.BlockSpec((8, H1), lambda i: (0, 0)),
            pl.BlockSpec((1, H1), lambda i: (0, 0)),
            pl.BlockSpec((1, H1), lambda i: (0, 0)),
            pl.BlockSpec((H1, H2), lambda i: (0, 0)),
            pl.BlockSpec((8, H2), lambda i: (0, 0)),
            pl.BlockSpec((8, H2), lambda i: (0, 0)),
            pl.BlockSpec((1, H2), lambda i: (0, 0)),
            pl.BlockSpec((1, H2), lambda i: (0, 0)),
        ],
        out_specs=pl.BlockSpec((NB2, H2), lambda i: (i, 0)),
        out_shape=jax.ShapeDtypeStruct((M, H2), jnp.float32),
    )(h1f, s1, q1, gamma1.reshape(1, H1), beta1.reshape(1, H1), w2_b,
      s2, q2, gamma2.reshape(1, H2), beta2.reshape(1, H2))

    return out.reshape(B, N, H2)

# --- scband reference (transcript-rebuilt; emitter-appended) ---
"""Pipeline reference for scband-point-upsampling-46600395161947 (READ-ONLY COPY).

The authoritative reference and input builder live on the scoring server;
editing this copy changes nothing except your own understanding.
"""

import jax, jax.numpy as jnp
import numpy as np

B, S, N, F, C = 16, 1024, 4096, 256, 128
TOP_K = 3

def setup_inputs(seed: int = 0) -> dict:
    key = jax.random.key(seed)
    ks = jax.random.split(key, 6)
    return {
        "super_xyz": jax.random.normal(ks[0], (B, S, 3), dtype=jnp.float32),
        "super_point_features": jax.random.normal(ks[1], (B, S, F), dtype=jnp.float32),
        "xyz": jax.random.normal(ks[2], (B, N, 3), dtype=jnp.float32),
        "point_features": jax.random.normal(ks[3], (B, N, C), dtype=jnp.float32),
        "W1": jax.random.normal(ks[4], (F + C, 256), dtype=jnp.float32) * 0.05,
        "gamma1": jnp.ones((256,), dtype=jnp.float32),
        "beta1": jnp.zeros((256,), dtype=jnp.float32),
        "W2": jax.random.normal(ks[5], (256, 256), dtype=jnp.float32) * 0.05,
        "gamma2": jnp.ones((256,), dtype=jnp.float32),
        "beta2": jnp.zeros((256,), dtype=jnp.float32),
    }

def _dist_squared(p1, p2):
    d = -2.0 * jnp.einsum('bnc,bsc->bns', p1, p2)
    d = d + jnp.sum(p1 ** 2, axis=-1, keepdims=True)
    d = d + jnp.sum(p2 ** 2, axis=-1)[:, None, :]
    return d

def _bn(x, gamma, beta):
    # TransposeBatchNorm1d: per-channel stats over (batch, points), training mode
    mean = jnp.mean(x, axis=(0, 1), keepdims=True)
    var = jnp.var(x, axis=(0, 1), keepdims=True)
    return gamma * (x - mean) / jnp.sqrt(var + 1e-5) + beta

def reference(super_xyz, super_point_features, xyz, point_features, W1, gamma1, beta1, W2, gamma2, beta2):
    dists = _dist_squared(xyz, super_xyz)                      # [B, N, S]
    neg_vals, idx = jax.lax.top_k(-dists, TOP_K)               # smallest k
    d = jnp.clip(-neg_vals, 0.0, None)
    eps = jnp.finfo(d.dtype).eps
    weight = 1.0 / (d + eps)
    weight = weight / jnp.sum(weight, axis=2, keepdims=True)   # [B, N, k]
    gathered = jax.vmap(lambda feat, ix: feat[ix])(super_point_features, idx)  # [B, N, k, F]
    interp = jnp.sum(gathered * weight[..., None], axis=2)     # [B, N, F]
    new_points = jnp.concatenate([point_features, interp], axis=-1)  # [B, N, F+C]
    h = new_points @ W1
    h = _bn(h, gamma1, beta1)
    h = jax.nn.gelu(h, approximate=False)
    h = h @ W2
    h = _bn(h, gamma2, beta2)
    h = jax.nn.gelu(h, approximate=False)
    return h

if __name__ == "__main__":
    import jax
    _d = setup_inputs()
    print(jax.jit(kernel)(*tuple(_d.values())))

</pallas_src>

<mosaic_0001>
#map = affine_map<(d0, d1) -> (0)>
#map1 = affine_map<(d0, d1) -> (0, 0)>
module attributes {stable_mosaic.version = 14 : i64} {
  func.func @sc_gather(%arg0: i32, %arg1: i32, %arg2: memref<196608xi32, #tpu.memory_space<hbm>>, %arg3: memref<196608xf32, #tpu.memory_space<hbm>>, %arg4: memref<16384x256xf32, #tpu.memory_space<hbm>>, %arg5: memref<16777216xf32, #tpu.memory_space<hbm>>, %arg6: memref<6160xi32, #tpu.memory_space<vmem>>, %arg7: memref<6160xf32, #tpu.memory_space<vmem>>, %arg8: memref<192x256xf32, #tpu.memory_space<vmem>>, %arg9: memref<16384xf32, #tpu.memory_space<vmem>>, %arg10: memref<!tpu.dma_semaphore, #tpu.memory_space<semaphore_mem>>) attributes {dimension_semantics = [#tpu.dimension_semantics<core_parallel>, #tpu.dimension_semantics<subcore_parallel>], iteration_bounds = array<i64: 2, 16>, scalar_prefetch = 0 : i64, scratch_operands = 5 : i64, tpu.core_type = #tpu.core_type<sc_vector_subcore>, window_params = [{transform_indices = #map}, {transform_indices = #map}, {transform_indices = #map1}, {transform_indices = #map}]} {
    %mul3A = arith.constant 2 : i32
    %mul3A_0 = arith.muli %arg1, %mul3A : i32
    %add3A = arith.addi %mul3A_0, %arg0 : i32
    %mul3A_1 = arith.constant 2048 : i32
    %mul3A_2 = arith.muli %add3A, %mul3A_1 : i32
    %mul3A_3 = arith.constant 3 : i32
    %mul3A_4 = arith.muli %mul3A_2, %mul3A_3 : i32
    "tpu.region"() ({
      %run_scoped3A = tpu.sem_alloc : memref<!tpu.dma_semaphore, #tpu.memory_space<semaphore_mem>>
      %dma_start3A = arith.constant 0 : i32
      %dma_start3A_12 = tpu.memref_slice %arg6[%dma_start3A] : memref<6160xi32, #tpu.memory_space<vmem>> -> memref<6144xi32, #tpu.memory_space<vmem>>
      %dma_start3A_13 = tpu.memref_slice %arg2[%mul3A_4] : memref<196608xi32, #tpu.memory_space<hbm>> -> memref<6144xi32, #tpu.memory_space<hbm>>
      %dma_start3A_14 = arith.constant 0 : i32
      %dma_start3A_15 = tpu.memref_slice %arg6[%dma_start3A_14] : memref<6160xi32, #tpu.memory_space<vmem>> -> memref<6144xi32, #tpu.memory_space<vmem>>
      %dma_start3A_16 = tpu.memref_slice %arg2[%mul3A_4] : memref<196608xi32, #tpu.memory_space<hbm>> -> memref<6144xi32, #tpu.memory_space<hbm>>
      tpu.enqueue_dma source(%dma_start3A_16 : memref<6144xi32, #tpu.memory_space<hbm>>) target(%dma_start3A_15 : memref<6144xi32, #tpu.memory_space<vmem>>) target_semaphore(%run_scoped3A : memref<!tpu.dma_semaphore, #tpu.memory_space<semaphore_mem>>)
      %dma_wait3A = arith.constant 0 : i32
      %dma_wait3A_17 = tpu.memref_slice %arg6[%dma_wait3A] : memref<6160xi32, #tpu.memory_space<vmem>> -> memref<6144xi32, #tpu.memory_space<vmem>>
      %dma_wait3A_18 = tpu.memref_slice %arg2[%mul3A_4] : memref<196608xi32, #tpu.memory_space<hbm>> -> memref<6144xi32, #tpu.memory_space<hbm>>
      %dma_wait3A_19 = arith.constant 0 : i32
      %dma_wait3A_20 = tpu.memref_slice %arg6[%dma_wait3A_19] : memref<6160xi32, #tpu.memory_space<vmem>> -> memref<6144xi32, #tpu.memory_space<vmem>>
      %dma_wait3A_21 = tpu.memref_slice %arg2[%mul3A_4] : memref<196608xi32, #tpu.memory_space<hbm>> -> memref<6144xi32, #tpu.memory_space<hbm>>
      tpu.wait_dma2 semaphore(%run_scoped3A : memref<!tpu.dma_semaphore, #tpu.memory_space<semaphore_mem>>) src(%dma_wait3A_21 : memref<6144xi32, #tpu.memory_space<hbm>>) dst(%dma_wait3A_20 : memref<6144xi32, #tpu.memory_space<vmem>>)
      tpu.yield
    }) : () -> ()
    %mul3A_5 = arith.constant 3 : i32
    %mul3A_6 = arith.muli %mul3A_2, %mul3A_5 : i32
    "tpu.region"() ({
      %run_scoped3A = tpu.sem_alloc : memref<!tpu.dma_semaphore, #tpu.memory_space<semaphore_mem>>
      %dma_start3A = arith.constant 0 : i32
      %dma_start3A_12 = tpu.memref_slice %arg7[%dma_start3A] : memref<6160xf32, #tpu.memory_space<vmem>> -> memref<6144xf32, #tpu.memory_space<vmem>>
      %dma_start3A_13 = tpu.memref_slice %arg3[%mul3A_6] : memref<196608xf32, #tpu.memory_space<hbm>> -> memref<6144xf32, #tpu.memory_space<hbm>>
      %dma_start3A_14 = arith.constant 0 : i32
      %dma_start3A_15 = tpu.memref_slice %arg7[%dma_start3A_14] : memref<6160xf32, #tpu.memory_space<vmem>> -> memref<6144xf32, #tpu.memory_space<vmem>>
      %dma_start3A_16 = tpu.memref_slice %arg3[%mul3A_6] : memref<196608xf32, #tpu.memory_space<hbm>> -> memref<6144xf32, #tpu.memory_space<hbm>>
      tpu.enqueue_dma source(%dma_start3A_16 : memref<6144xf32, #tpu.memory_space<hbm>>) target(%dma_start3A_15 : memref<6144xf32, #tpu.memory_space<vmem>>) target_semaphore(%run_scoped3A : memref<!tpu.dma_semaphore, #tpu.memory_space<semaphore_mem>>)
      %dma_wait3A = arith.constant 0 : i32
      %dma_wait3A_17 = tpu.memref_slice %arg7[%dma_wait3A] : memref<6160xf32, #tpu.memory_space<vmem>> -> memref<6144xf32, #tpu.memory_space<vmem>>
      %dma_wait3A_18 = tpu.memref_slice %arg3[%mul3A_6] : memref<196608xf32, #tpu.memory_space<hbm>> -> memref<6144xf32, #tpu.memory_space<hbm>>
      %dma_wait3A_19 = arith.constant 0 : i32
      %dma_wait3A_20 = tpu.memref_slice %arg7[%dma_wait3A_19] : memref<6160xf32, #tpu.memory_space<vmem>> -> memref<6144xf32, #tpu.memory_space<vmem>>
      %dma_wait3A_21 = tpu.memref_slice %arg3[%mul3A_6] : memref<196608xf32, #tpu.memory_space<hbm>> -> memref<6144xf32, #tpu.memory_space<hbm>>
      tpu.wait_dma2 semaphore(%run_scoped3A : memref<!tpu.dma_semaphore, #tpu.memory_space<semaphore_mem>>) src(%dma_wait3A_21 : memref<6144xf32, #tpu.memory_space<hbm>>) dst(%dma_wait3A_20 : memref<6144xf32, #tpu.memory_space<vmem>>)
      tpu.yield
    }) : () -> ()
    %iota3A = tpu.iota {dimensions = array<i32: 0>} : vector<16xi32>
    %scan3A = arith.constant 0 : i32
    %scan3A_7 = arith.constant 0 : i32
    %scan3A_8 = arith.constant 32 : i32
    %scan3A_9 = arith.addi %scan3A_7, %scan3A_8 : i32
    %scan3A_10 = arith.constant 1 : i32
    scf.for %scan3A_12 = %scan3A_7 to %scan3A_9 step %scan3A_10  : i32 {
      %mul3A_13 = arith.constant 3 : i32
      %mul3A_14 = arith.muli %scan3A_12, %mul3A_13 : i32
      %mul3A_15 = arith.constant 64 : i32
      %mul3A_16 = arith.muli %mul3A_14, %mul3A_15 : i32
      %dma_start3A = tpu.memref_slice %arg6[%mul3A_16] : memref<6160xi32, #tpu.memory_space<vmem>> -> memref<192xi32, #tpu.memory_space<vmem>>
      %dma_start3A_17 = arith.constant 0 : i32
      %dma_start3A_18 = arith.constant 0 : i32
      %dma_start3A_19 = tpu.memref_slice %arg4[%dma_start3A_17, %dma_start3A_18] : memref<16384x256xf32, #tpu.memory_space<hbm>> -> memref<16384x256xf32, #tpu.memory_space<hbm>>
      tpu.enqueue_indirect_dma source(%dma_start3A_19 : memref<16384x256xf32, #tpu.memory_space<hbm>>) target(%arg8 : memref<192x256xf32, #tpu.memory_space<vmem>>) offsets(%dma_start3A : memref<192xi32, #tpu.memory_space<vmem>>) semaphore(%arg10 : memref<!tpu.dma_semaphore, #tpu.memory_space<semaphore_mem>>)
      %dma_wait3A = tpu.memref_slice %arg6[%mul3A_16] : memref<6160xi32, #tpu.memory_space<vmem>> -> memref<192xi32, #tpu.memory_space<vmem>>
      %dma_wait3A_20 = arith.constant 0 : i32
      %dma_wait3A_21 = arith.constant 0 : i32
      %dma_wait3A_22 = tpu.memref_slice %arg4[%dma_wait3A_20, %dma_wait3A_21] : memref<16384x256xf32, #tpu.memory_space<hbm>> -> memref<16384x256xf32, #tpu.memory_space<hbm>>
      tpu.wait_indirect_dma semaphore(%arg10 : memref<!tpu.dma_semaphore, #tpu.memory_space<semaphore_mem>>) src(%dma_wait3A_22 : memref<16384x256xf32, #tpu.memory_space<hbm>>) dst(%arg8 : memref<192x256xf32, #tpu.memory_space<vmem>>)
      %scan3A_23 = arith.constant 0 : i32
      %scan3A_24 = arith.constant 0 : i32
      %scan3A_25 = arith.constant 64 : i32
      %scan3A_26 = arith.addi %scan3A_24, %scan3A_25 : i32
      %scan3A_27 = arith.constant 1 : i32
      scf.for %scan3A_34 = %scan3A_24 to %scan3A_26 step %scan3A_27  : i32 {
        %mul3A_35 = arith.constant 64 : i32
        %mul3A_36 = arith.muli %scan3A_12, %mul3A_35 : i32
        %mul3A_37 = arith.constant 3 : i32
        %mul3A_38 = arith.muli %mul3A_36, %mul3A_37 : i32
        %mul3A_39 = arith.constant 3 : i32
        %mul3A_40 = arith.muli %scan3A_34, %mul3A_39 : i32
        %add3A_41 = arith.addi %mul3A_38, %mul3A_40 : i32
        %broadcast_in_dim3A = vector.broadcast %add3A_41 : i32 to vector<16xi32>
        %gather3A = tpu.vector_load_idx %arg7[%broadcast_in_dim3A] : memref<6160xf32, #tpu.memory_space<vmem>>[vector<16xi32>], vector<16xf32>,
        %add3A_42 = arith.constant 1 : i32
        %add3A_43 = arith.addi %add3A_41, %add3A_42 : i32
        %broadcast_in_dim3A_44 = vector.broadcast %add3A_43 : i32 to vector<16xi32>
        %gather3A_45 = tpu.vector_load_idx %arg7[%broadcast_in_dim3A_44] : memref<6160xf32, #tpu.memory_space<vmem>>[vector<16xi32>], vector<16xf32>,
        %add3A_46 = arith.constant 2 : i32
        %add3A_47 = arith.addi %add3A_41, %add3A_46 : i32
        %broadcast_in_dim3A_48 = vector.broadcast %add3A_47 : i32 to vector<16xi32>
        %gather3A_49 = tpu.vector_load_idx %arg7[%broadcast_in_dim3A_48] : memref<6160xf32, #tpu.memory_space<vmem>>[vector<16xi32>], vector<16xf32>,
        %mul3A_50 = arith.constant 3 : i32
        %mul3A_51 = arith.muli %scan3A_34, %mul3A_50 : i32
        %get3A = arith.index_cast %mul3A_51 : i32 to index
        %get3A_52 = arith.constant 0 : index
        %get3A_53 = tpu.vector_load %arg8[%get3A, %get3A_52] {strides = array<i32>} : memref<192x256xf32, #tpu.memory_space<vmem>>, vector<16xf32>,
        %add3A_54 = arith.constant 1 : i32
        %add3A_55 = arith.addi %mul3A_51, %add3A_54 : i32
        %get3A_56 = arith.index_cast %add3A_55 : i32 to index
        %get3A_57 = arith.constant 0 : index
        %get3A_58 = tpu.vector_load %arg8[%get3A_56, %get3A_57] {strides = array<i32>} : memref<192x256xf32, #tpu.memory_space<vmem>>, vector<16xf32>,
        %add3A_59 = arith.constant 2 : i32
        %add3A_60 = arith.addi %mul3A_51, %add3A_59 : i32
        %get3A_61 = arith.index_cast %add3A_60 : i32 to index
        %get3A_62 = arith.constant 0 : index
        %get3A_63 = tpu.vector_load %arg8[%get3A_61, %get3A_62] {strides = array<i32>} : memref<192x256xf32, #tpu.memory_space<vmem>>, vector<16xf32>,
        %mul3A_64 = arith.mulf %gather3A, %get3A_53 : vector<16xf32>
        %mul3A_65 = arith.mulf %gather3A_45, %get3A_58 : vector<16xf32>
        %add3A_66 = arith.addf %mul3A_64, %mul3A_65 : vector<16xf32>
        %mul3A_67 = arith.mulf %gather3A_49, %get3A_63 : vector<16xf32>
        %add3A_68 = arith.addf %add3A_66, %mul3A_67 : vector<16xf32>
        %mul3A_69 = arith.constant 256 : i32
        %mul3A_70 = arith.muli %scan3A_34, %mul3A_69 : i32
        %add3A_71 = arith.constant 0 : i32
        %add3A_72 = arith.addi %mul3A_70, %add3A_71 : i32
        %swap3A = arith.index_cast %add3A_72 : i32 to index
        %swap3A_73 = tpu.vector_load %arg9[%swap3A] {strides = array<i32>} : memref<16384xf32, #tpu.memory_space<vmem>>, vector<16xf32>,
        tpu.vector_store %arg9[%swap3A], %add3A_68 {strides = array<i32>} : memref<16384xf32, #tpu.memory_space<vmem>>, vector<16xf32>,
        %get3A_74 = arith.index_cast %mul3A_51 : i32 to index
        %get3A_75 = arith.constant 16 : index
        %get3A_76 = tpu.vector_load %arg8[%get3A_74, %get3A_75] {strides = array<i32>} : memref<192x256xf32, #tpu.memory_space<vmem>>, vector<16xf32>,
        %add3A_77 = arith.constant 1 : i32
        %add3A_78 = arith.addi %mul3A_51, %add3A_77 : i32
        %get3A_79 = arith.index_cast %add3A_78 : i32 to index
        %get3A_80 = arith.constant 16 : index
        %get3A_81 = tpu.vector_load %arg8[%get3A_79, %get3A_80] {strides = array<i32>} : memref<192x256xf32, #tpu.memory_space<vmem>>, vector<16xf32>,
        %add3A_82 = arith.constant 2 : i32
        %add3A_83 = arith.addi %mul3A_51, %add3A_82 : i32
        %get3A_84 = arith.index_cast %add3A_83 : i32 to index
        %get3A_85 = arith.constant 16 : index
        %get3A_86 = tpu.vector_load %arg8[%get3A_84, %get3A_85] {strides = array<i32>} : memref<192x256xf32, #tpu.memory_space<vmem>>, vector<16xf32>,
        %mul3A_87 = arith.mulf %gather3A, %get3A_76 : vector<16xf32>
        %mul3A_88 = arith.mulf %gather3A_45, %get3A_81 : vector<16xf32>
        %add3A_89 = arith.addf %mul3A_87, %mul3A_88 : vector<16xf32>
        %mul3A_90 = arith.mulf %gather3A_49, %get3A_86 : vector<16xf32>
        %add3A_91 = arith.addf %add3A_89, %mul3A_90 : vector<16xf32>
        %mul3A_92 = arith.constant 256 : i32
        %mul3A_93 = arith.muli %scan3A_34, %mul3A_92 : i32
        %add3A_94 = arith.constant 16 : i32
        %add3A_95 = arith.addi %mul3A_93, %add3A_94 : i32
        %swap3A_96 = arith.index_cast %add3A_95 : i32 to index
        %swap3A_97 = tpu.vector_load %arg9[%swap3A_96] {strides = array<i32>} : memref<16384xf32, #tpu.memory_space<vmem>>, vector<16xf32>,
        tpu.vector_store %arg9[%swap3A_96], %add3A_91 {strides = array<i32>} : memref<16384xf32, #tpu.memory_space<vmem>>, vector<16xf32>,
        %get3A_98 = arith.index_cast %mul3A_51 : i32 to index
        %get3A_99 = arith.constant 32 : index
        %get3A_100 = tpu.vector_load %arg8[%get3A_98, %get3A_99] {strides = array<i32>} : memref<192x256xf32, #tpu.memory_space<vmem>>, vector<16xf32>,
        %add3A_101 = arith.constant 1 : i32
        %add3A_102 = arith.addi %mul3A_51, %add3A_101 : i32
        %get3A_103 = arith.index_cast %add3A_102 : i32 to index
        %get3A_104 = arith.constant 32 : index
        %get3A_105 = tpu.vector_load %arg8[%get3A_103, %get3A_104] {strides = array<i32>} : memref<192x256xf32, #tpu.memory_space<vmem>>, vector<16xf32>,
        %add3A_106 = arith.constant 2 : i32
        %add3A_107 = arith.addi %mul3A_51, %add3A_106 : i32
        %get3A_108 = arith.index_cast %add3A_107 : i32 to index
        %get3A_109 = arith.constant 32 : index
        %get3A_110 = tpu.vector_load %arg8[%get3A_108, %get3A_109] {strides = array<i32>} : memref<192x256xf32, #tpu.memory_space<vmem>>, vector<16xf32>,
        %mul3A_111 = arith.mulf %gather3A, %get3A_100 : vector<16xf32>
        %mul3A_112 = arith.mulf %gather3A_45, %get3A_105 : vector<16xf32>
        %add3A_113 = arith.addf %mul3A_111, %mul3A_112 : vector<16xf32>
        %mul3A_114 = arith.mulf %gather3A_49, %get3A_110 : vector<16xf32>
        %add3A_115 = arith.addf %add3A_113, %mul3A_114 : vector<16xf32>
        %mul3A_116 = arith.constant 256 : i32
        %mul3A_117 = arith.muli %scan3A_34, %mul3A_116 : i32
        %add3A_118 = arith.constant 32 : i32
        %add3A_119 = arith.addi %mul3A_117, %add3A_118 : i32
        %swap3A_120 = arith.index_cast %add3A_119 : i32 to index
        %swap3A_121 = tpu.vector_load %arg9[%swap3A_120] {strides = array<i32>} : memref<16384xf32, #tpu.memory_space<vmem>>, vector<16xf32>,
        tpu.vector_store %arg9[%swap3A_120], %add3A_115 {strides = array<i32>} : memref<16384xf32, #tpu.memory_space<vmem>>, vector<16xf32>,
        %get3A_122 = arith.index_cast %mul3A_51 : i32 to index
        %get3A_123 = arith.constant 48 : index
        %get3A_124 = tpu.vector_load %arg8[%get3A_122, %get3A_123] {strides = array<i32>} : memref<192x256xf32, #tpu.memory_space<vmem>>, vector<16xf32>,
        %add3A_125 = arith.constant 1 : i32
        %add3A_126 = arith.addi %mul3A_51, %add3A_125 : i32
        %get3A_127 = arith.index_cast %add3A_126 : i32 to index
        %get3A_128 = arith.constant 48 : index
        %get3A_129 = tpu.vector_load %arg8[%get3A_127, %get3A_128] {strides = array<i32>} : memref<192x256xf32, #tpu.memory_space<vmem>>, vector<16xf32>,
        %add3A_130 = arith.constant 2 : i32
        %add3A_131 = arith.addi %mul3A_51, %add3A_130 : i32
        %get3A_132 = arith.index_cast %add3A_131 : i32 to index
        %get3A_133 = arith.constant 48 : index
        %get3A_134 = tpu.vector_load %arg8[%get3A_132, %get3A_133] {strides = array<i32>} : memref<192x256xf32, #tpu.memory_space<vmem>>, vector<16xf32>,
        %mul3A_135 = arith.mulf %gather3A, %get3A_124 : vector<16xf32>
        %mul3A_136 = arith.mulf %gather3A_45, %get3A_129 : vector<16xf32>
        %add3A_137 = arith.addf %mul3A_135, %mul3A_136 : vector<16xf32>
        %mul3A_138 = arith.mulf %gather3A_49, %get3A_134 : vector<16xf32>
        %add3A_139 = arith.addf %add3A_137, %mul3A_138 : vector<16xf32>
        %mul3A_140 = arith.constant 256 : i32
        %mul3A_141 = arith.muli %scan3A_34, %mul3A_140 : i32
        %add3A_142 = arith.constant 48 : i32
        %add3A_143 = arith.addi %mul3A_141, %add3A_142 : i32
        %swap3A_144 = arith.index_cast %add3A_143 : i32 to index
        %swap3A_145 = tpu.vector_load %arg9[%swap3A_144] {strides = array<i32>} : memref<16384xf32, #tpu.memory_space<vmem>>, vector<16xf32>,
        tpu.vector_store %arg9[%swap3A_144], %add3A_139 {strides = array<i32>} : memref<16384xf32, #tpu.memory_space<vmem>>, vector<16xf32>,
        %get3A_146 = arith.index_cast %mul3A_51 : i32 to index
        %get3A_147 = arith.constant 64 : index
        %get3A_148 = tpu.vector_load %arg8[%get3A_146, %get3A_147] {strides = array<i32>} : memref<192x256xf32, #tpu.memory_space<vmem>>, vector<16xf32>,
        %add3A_149 = arith.constant 1 : i32
        %add3A_150 = arith.addi %mul3A_51, %add3A_149 : i32
        %get3A_151 = arith.index_cast %add3A_150 : i32 to index
        %get3A_152 = arith.constant 64 : index
        %get3A_153 = tpu.vector_load %arg8[%get3A_151, %get3A_152] {strides = array<i32>} : memref<192x256xf32, #tpu.memory_space<vmem>>, vector<16xf32>,
        %add3A_154 = arith.constant 2 : i32
        %add3A_155 = arith.addi %mul3A_51, %add3A_154 : i32
        %get3A_156 = arith.index_cast %add3A_155 : i32 to index
        %get3A_157 = arith.constant 64 : index
        %get3A_158 = tpu.vector_load %arg8[%get3A_156, %get3A_157] {strides = array<i32>} : memref<192x256xf32, #tpu.memory_space<vmem>>, vector<16xf32>,
        %mul3A_159 = arith.mulf %gather3A, %get3A_148 : vector<16xf32>
        %mul3A_160 = arith.mulf %gather3A_45, %get3A_153 : vector<16xf32>
        %add3A_161 = arith.addf %mul3A_159, %mul3A_160 : vector<16xf32>
        %mul3A_162 = arith.mulf %gather3A_49, %get3A_158 : vector<16xf32>
        %add3A_163 = arith.addf %add3A_161, %mul3A_162 : vector<16xf32>
        %mul3A_164 = arith.constant 256 : i32
        %mul3A_165 = arith.muli %scan3A_34, %mul3A_164 : i32
        %add3A_166 = arith.constant 64 : i32
        %add3A_167 = arith.addi %mul3A_165, %add3A_166 : i32
        %swap3A_168 = arith.index_cast %add3A_167 : i32 to index
        %swap3A_169 = tpu.vector_load %arg9[%swap3A_168] {strides = array<i32>} : memref<16384xf32, #tpu.memory_space<vmem>>, vector<16xf32>,
        tpu.vector_store %arg9[%swap3A_168], %add3A_163 {strides = array<i32>} : memref<16384xf32, #tpu.memory_space<vmem>>, vector<16xf32>,
        %get3A_170 = arith.index_cast %mul3A_51 : i32 to index
        %get3A_171 = arith.constant 80 : index
        %get3A_172 = tpu.vector_load %arg8[%get3A_170, %get3A_171] {strides = array<i32>} : memref<192x256xf32, #tpu.memory_space<vmem>>, vector<16xf32>,
        %add3A_173 = arith.constant 1 : i32
        %add3A_174 = arith.addi %mul3A_51, %add3A_173 : i32
        %get3A_175 = arith.index_cast %add3A_174 : i32 to index
        %get3A_176 = arith.constant 80 : index
        %get3A_177 = tpu.vector_load %arg8[%get3A_175, %get3A_176] {strides = array<i32>} : memref<192x256xf32, #tpu.memory_space<vmem>>, vector<16xf32>,
        %add3A_178 = arith.constant 2 : i32
        %add3A_179 = arith.addi %mul3A_51, %add3A_178 : i32
        %get3A_180 = arith.index_cast %add3A_179 : i32 to index
        %get3A_181 = arith.constant 80 : index
        %get3A_182 = tpu.vector_load %arg8[%get3A_180, %get3A_181] {strides = array<i32>} : memref<192x256xf32, #tpu.memory_space<vmem>>, vector<16xf32>,
        %mul3A_183 = arith.mulf %gather3A, %get3A_172 : vector<16xf32>
        %mul3A_184 = arith.mulf %gather3A_45, %get3A_177 : vector<16xf32>
        %add3A_185 = arith.addf %mul3A_183, %mul3A_184 : vector<16xf32>
        %mul3A_186 = arith.mulf %gather3A_49, %get3A_182 : vector<16xf32>
        %add3A_187 = arith.addf %add3A_185, %mul3A_186 : vector<16xf32>
        %mul3A_188 = arith.constant 256 : i32
        %mul3A_189 = arith.muli %scan3A_34, %mul3A_188 : i32
        %add3A_190 = arith.constant 80 : i32
        %add3A_191 = arith.addi %mul3A_189, %add3A_190 : i32
        %swap3A_192 = arith.index_cast %add3A_191 : i32 to index
        %swap3A_193 = tpu.vector_load %arg9[%swap3A_192] {strides = array<i32>} : memref<16384xf32, #tpu.memory_space<vmem>>, vector<16xf32>,
        tpu.vector_store %arg9[%swap3A_192], %add3A_187 {strides = array<i32>} : memref<16384xf32, #tpu.memory_space<vmem>>, vector<16xf32>,
        %get3A_194 = arith.index_cast %mul3A_51 : i32 to index
        %get3A_195 = arith.constant 96 : index
        %get3A_196 = tpu.vector_load %arg8[%get3A_194, %get3A_195] {strides = array<i32>} : memref<192x256xf32, #tpu.memory_space<vmem>>, vector<16xf32>,
        %add3A_197 = arith.constant 1 : i32
        %add3A_198 = arith.addi %mul3A_51, %add3A_197 : i32
        %get3A_199 = arith.index_cast %add3A_198 : i32 to index
        %get3A_200 = arith.constant 96 : index
        %get3A_201 = tpu.vector_load %arg8[%get3A_199, %get3A_200] {strides = array<i32>} : memref<192x256xf32, #tpu.memory_space<vmem>>, vector<16xf32>,
        %add3A_202 = arith.constant 2 : i32
        %add3A_203 = arith.addi %mul3A_51, %add3A_202 : i32
        %get3A_204 = arith.index_cast %add3A_203 : i32 to index
        %get3A_205 = arith.constant 96 : index
        %get3A_206 = tpu.vector_load %arg8[%get3A_204, %get3A_205] {strides = array<i32>} : memref<192x256xf32, #tpu.memory_space<vmem>>, vector<16xf32>,
        %mul3A_207 = arith.mulf %gather3A, %get3A_196 : vector<16xf32>
        %mul3A_208 = arith.mulf %gather3A_45, %get3A_201 : vector<16xf32>
        %add3A_209 = arith.addf %mul3A_207, %mul3A_208 : vector<16xf32>
        %mul3A_210 = arith.mulf %gather3A_49, %get3A_206 : vector<16xf32>
        %add3A_211 = arith.addf %add3A_209, %mul3A_210 : vector<16xf32>
        %mul3A_212 = arith.constant 256 : i32
        %mul3A_213 = arith.muli %scan3A_34, %mul3A_212 : i32
        %add3A_214 = arith.constant 96 : i32
        %add3A_215 = arith.addi %mul3A_213, %add3A_214 : i32
        %swap3A_216 = arith.index_cast %add3A_215 : i32 to index
        %swap3A_217 = tpu.vector_load %arg9[%swap3A_216] {strides = array<i32>} : memref<16384xf32, #tpu.memory_space<vmem>>, vector<16xf32>,
        tpu.vector_store %arg9[%swap3A_216], %add3A_211 {strides = array<i32>} : memref<16384xf32, #tpu.memory_space<vmem>>, vector<16xf32>,
        %get3A_218 = arith.index_cast %mul3A_51 : i32 to index
        %get3A_219 = arith.constant 112 : index
        %get3A_220 = tpu.vector_load %arg8[%get3A_218, %get3A_219] {strides = array<i32>} : memref<192x256xf32, #tpu.memory_space<vmem>>, vector<16xf32>,
        %add3A_221 = arith.constant 1 : i32
        %add3A_222 = arith.addi %mul3A_51, %add3A_221 : i32
        %get3A_223 = arith.index_cast %add3A_222 : i32 to index
        %get3A_224 = arith.constant 112 : index
        %get3A_225 = tpu.vector_load %arg8[%get3A_223, %get3A_224] {strides = array<i32>} : memref<192x256xf32, #tpu.memory_space<vmem>>, vector<16xf32>,
        %add3A_226 = arith.constant 2 : i32
        %add3A_227 = arith.addi %mul3A_51, %add3A_226 : i32
        %get3A_228 = arith.index_cast %add3A_227 : i32 to index
        %get3A_229 = arith.constant 112 : index
        %get3A_230 = tpu.vector_load %arg8[%get3A_228, %get3A_229] {strides = array<i32>} : memref<192x256xf32, #tpu.memory_space<vmem>>, vector<16xf32>,
        %mul3A_231 = arith.mulf %gather3A, %get3A_220 : vector<16xf32>
        %mul3A_232 = arith.mulf %gather3A_45, %get3A_225 : vector<16xf32>
        %add3A_233 = arith.addf %mul3A_231, %mul3A_232 : vector<16xf32>
        %mul3A_234 = arith.mulf %gather3A_49, %get3A_230 : vector<16xf32>
        %add3A_235 = arith.addf %add3A_233, %mul3A_234 : vector<16xf32>
        %mul3A_236 = arith.constant 256 : i32
        %mul3A_237 = arith.muli %scan3A_34, %mul3A_236 : i32
        %add3A_238 = arith.constant 112 : i32
        %add3A_239 = arith.addi %mul3A_237, %add3A_238 : i32
        %swap3A_240 = arith.index_cast %add3A_239 : i32 to index
        %swap3A_241 = tpu.vector_load %arg9[%swap3A_240] {strides = array<i32>} : memref<16384xf32, #tpu.memory_space<vmem>>, vector<16xf32>,
        tpu.vector_store %arg9[%swap3A_240], %add3A_235 {strides = array<i32>} : memref<16384xf32, #tpu.memory_space<vmem>>, vector<16xf32>,
        %get3A_242 = arith.index_cast %mul3A_51 : i32 to index
        %get3A_243 = arith.constant 128 : index
        %get3A_244 = tpu.vector_load %arg8[%get3A_242, %get3A_243] {strides = array<i32>} : memref<192x256xf32, #tpu.memory_space<vmem>>, vector<16xf32>,
        %add3A_245 = arith.constant 1 : i32
        %add3A_246 = arith.addi %mul3A_51, %add3A_245 : i32
        %get3A_247 = arith.index_cast %add3A_246 : i32 to index
        %get3A_248 = arith.constant 128 : index
        %get3A_249 = tpu.vector_load %arg8[%get3A_247, %get3A_248] {strides = array<i32>} : memref<192x256xf32, #tpu.memory_space<vmem>>, vector<16xf32>,
        %add3A_250 = arith.constant 2 : i32
        %add3A_251 = arith.addi %mul3A_51, %add3A_250 : i32
        %get3A_252 = arith.index_cast %add3A_251 : i32 to index
        %get3A_253 = arith.constant 128 : index
        %get3A_254 = tpu.vector_load %arg8[%get3A_252, %get3A_253] {strides = array<i32>} : memref<192x256xf32, #tpu.memory_space<vmem>>, vector<16xf32>,
        %mul3A_255 = arith.mulf %gather3A, %get3A_244 : vector<16xf32>
        %mul3A_256 = arith.mulf %gather3A_45, %get3A_249 : vector<16xf32>
        %add3A_257 = arith.addf %mul3A_255, %mul3A_256 : vector<16xf32>
        %mul3A_258 = arith.mulf %gather3A_49, %get3A_254 : vector<16xf32>
        %add3A_259 = arith.addf %add3A_257, %mul3A_258 : vector<16xf32>
        %mul3A_260 = arith.constant 256 : i32
        %mul3A_261 = arith.muli %scan3A_34, %mul3A_260 : i32
        %add3A_262 = arith.constant 128 : i32
        %add3A_263 = arith.addi %mul3A_261, %add3A_262 : i32
        %swap3A_264 = arith.index_cast %add3A_263 : i32 to index
        %swap3A_265 = tpu.vector_load %arg9[%swap3A_264] {strides = array<i32>} : memref<16384xf32, #tpu.memory_space<vmem>>, vector<16xf32>,
        tpu.vector_store %arg9[%swap3A_264], %add3A_259 {strides = array<i32>} : memref<16384xf32, #tpu.memory_space<vmem>>, vector<16xf32>,
        %get3A_266 = arith.index_cast %mul3A_51 : i32 to index
        %get3A_267 = arith.constant 144 : index
        %get3A_268 = tpu.vector_load %arg8[%get3A_266, %get3A_267] {strides = array<i32>} : memref<192x256xf32, #tpu.memory_space<vmem>>, vector<16xf32>,
        %add3A_269 = arith.constant 1 : i32
        %add3A_270 = arith.addi %mul3A_51, %add3A_269 : i32
        %get3A_271 = arith.index_cast %add3A_270 : i32 to index
        %get3A_272 = arith.constant 144 : index
        %get3A_273 = tpu.vector_load %arg8[%get3A_271, %get3A_272] {strides = array<i32>} : memref<192x256xf32, #tpu.memory_space<vmem>>, vector<16xf32>,
        %add3A_274 = arith.constant 2 : i32
        %add3A_275 = arith.addi %mul3A_51, %add3A_274 : i32
        %get3A_276 = arith.index_cast %add3A_275 : i32 to index
        %get3A_277 = arith.constant 144 : index
        %get3A_278 = tpu.vector_load %arg8[%get3A_276, %get3A_277] {strides = array<i32>} : memref<192x256xf32, #tpu.memory_space<vmem>>, vector<16xf32>,
        %mul3A_279 = arith.mulf %gather3A, %get3A_268 : vector<16xf32>
        %mul3A_280 = arith.mulf %gather3A_45, %get3A_273 : vector<16xf32>
        %add3A_281 = arith.addf %mul3A_279, %mul3A_280 : vector<16xf32>
        %mul3A_282 = arith.mulf %gather3A_49, %get3A_278 : vector<16xf32>
        %add3A_283 = arith.addf %add3A_281, %mul3A_282 : vector<16xf32>
        %mul3A_284 = arith.constant 256 : i32
        %mul3A_285 = arith.muli %scan3A_34, %mul3A_284 : i32
        %add3A_286 = arith.constant 144 : i32
        %add3A_287 = arith.addi %mul3A_285, %add3A_286 : i32
        %swap3A_288 = arith.index_cast %add3A_287 : i32 to index
        %swap3A_289 = tpu.vector_load %arg9[%swap3A_288] {strides = array<i32>} : memref<16384xf32, #tpu.memory_space<vmem>>, vector<16xf32>,
        tpu.vector_store %arg9[%swap3A_288], %add3A_283 {strides = array<i32>} : memref<16384xf32, #tpu.memory_space<vmem>>, vector<16xf32>,
        %get3A_290 = arith.index_cast %mul3A_51 : i32 to index
        %get3A_291 = arith.constant 160 : index
        %get3A_292 = tpu.vector_load %arg8[%get3A_290, %get3A_291] {strides = array<i32>} : memref<192x256xf32, #tpu.memory_space<vmem>>, vector<16xf32>,
        %add3A_293 = arith.constant 1 : i32
        %add3A_294 = arith.addi %mul3A_51, %add3A_293 : i32
        %get3A_295 = arith.index_cast %add3A_294 : i32 to index
        %get3A_296 = arith.constant 160 : index
        %get3A_297 = tpu.vector_load %arg8[%get3A_295, %get3A_296] {strides = array<i32>} : memref<192x256xf32, #tpu.memory_space<vmem>>, vector<16xf32>,
        %add3A_298 = arith.constant 2 : i32
        %add3A_299 = arith.addi %mul3A_51, %add3A_298 : i32
        %get3A_300 = arith.index_cast %add3A_299 : i32 to index
        %get3A_301 = arith.constant 160 : index
        %get3A_302 = tpu.vector_load %arg8[%get3A_300, %get3A_301] {strides = array<i32>} : memref<192x256xf32, #tpu.memory_space<vmem>>, vector<16xf32>,
        %mul3A_303 = arith.mulf %gather3A, %get3A_292 : vector<16xf32>
        %mul3A_304 = arith.mulf %gather3A_45, %get3A_297 : vector<16xf32>
        %add3A_305 = arith.addf %mul3A_303, %mul3A_304 : vector<16xf32>
        %mul3A_306 = arith.mulf %gather3A_49, %get3A_302 : vector<16xf32>
        %add3A_307 = arith.addf %add3A_305, %mul3A_306 : vector<16xf32>
        %mul3A_308 = arith.constant 256 : i32
        %mul3A_309 = arith.muli %scan3A_34, %mul3A_308 : i32
        %add3A_310 = arith.constant 160 : i32
        %add3A_311 = arith.addi %mul3A_309, %add3A_310 : i32
        %swap3A_312 = arith.index_cast %add3A_311 : i32 to index
        %swap3A_313 = tpu.vector_load %arg9[%swap3A_312] {strides = array<i32>} : memref<16384xf32, #tpu.memory_space<vmem>>, vector<16xf32>,
        tpu.vector_store %arg9[%swap3A_312], %add3A_307 {strides = array<i32>} : memref<16384xf32, #tpu.memory_space<vmem>>, vector<16xf32>,
        %get3A_314 = arith.index_cast %mul3A_51 : i32 to index
        %get3A_315 = arith.constant 176 : index
        %get3A_316 = tpu.vector_load %arg8[%get3A_314, %get3A_315] {strides = array<i32>} : memref<192x256xf32, #tpu.memory_space<vmem>>, vector<16xf32>,
        %add3A_317 = arith.constant 1 : i32
        %add3A_318 = arith.addi %mul3A_51, %add3A_317 : i32
        %get3A_319 = arith.index_cast %add3A_318 : i32 to index
        %get3A_320 = arith.constant 176 : index
        %get3A_321 = tpu.vector_load %arg8[%get3A_319, %get3A_320] {strides = array<i32>} : memref<192x256xf32, #tpu.memory_space<vmem>>, vector<16xf32>,
        %add3A_322 = arith.constant 2 : i32
        %add3A_323 = arith.addi %mul3A_51, %add3A_322 : i32
        %get3A_324 = arith.index_cast %add3A_323 : i32 to index
        %get3A_325 = arith.constant 176 : index
        %get3A_326 = tpu.vector_load %arg8[%get3A_324, %get3A_325] {strides = array<i32>} : memref<192x256xf32, #tpu.memory_space<vmem>>, vector<16xf32>,
        %mul3A_327 = arith.mulf %gather3A, %get3A_316 : vector<16xf32>
        %mul3A_328 = arith.mulf %gather3A_45, %get3A_321 : vector<16xf32>
        %add3A_329 = arith.addf %mul3A_327, %mul3A_328 : vector<16xf32>
        %mul3A_330 = arith.mulf %gather3A_49, %get3A_326 : vector<16xf32>
        %add3A_331 = arith.addf %add3A_329, %mul3A_330 : vector<16xf32>
        %mul3A_332 = arith.constant 256 : i32
        %mul3A_333 = arith.muli %scan3A_34, %mul3A_332 : i32
        %add3A_334 = arith.constant 176 : i32
        %add3A_335 = arith.addi %mul3A_333, %add3A_334 : i32
        %swap3A_336 = arith.index_cast %add3A_335 : i32 to index
        %swap3A_337 = tpu.vector_load %arg9[%swap3A_336] {strides = array<i32>} : memref<16384xf32, #tpu.memory_space<vmem>>, vector<16xf32>,
        tpu.vector_store %arg9[%swap3A_336], %add3A_331 {strides = array<i32>} : memref<16384xf32, #tpu.memory_space<vmem>>, vector<16xf32>,
        %get3A_338 = arith.index_cast %mul3A_51 : i32 to index
        %get3A_339 = arith.constant 192 : index
        %get3A_340 = tpu.vector_load %arg8[%get3A_338, %get3A_339] {strides = array<i32>} : memref<192x256xf32, #tpu.memory_space<vmem>>, vector<16xf32>,
        %add3A_341 = arith.constant 1 : i32
        %add3A_342 = arith.addi %mul3A_51, %add3A_341 : i32
        %get3A_343 = arith.index_cast %add3A_342 : i32 to index
        %get3A_344 = arith.constant 192 : index
        %get3A_345 = tpu.vector_load %arg8[%get3A_343, %get3A_344] {strides = array<i32>} : memref<192x256xf32, #tpu.memory_space<vmem>>, vector<16xf32>,
        %add3A_346 = arith.constant 2 : i32
        %add3A_347 = arith.addi %mul3A_51, %add3A_346 : i32
        %get3A_348 = arith.index_cast %add3A_347 : i32 to index
        %get3A_349 = arith.constant 192 : index
        %get3A_350 = tpu.vector_load %arg8[%get3A_348, %get3A_349] {strides = array<i32>} : memref<192x256xf32, #tpu.memory_space<vmem>>, vector<16xf32>,
        %mul3A_351 = arith.mulf %gather3A, %get3A_340 : vector<16xf32>
        %mul3A_352 = arith.mulf %gather3A_45, %get3A_345 : vector<16xf32>
        %add3A_353 = arith.addf %mul3A_351, %mul3A_352 : vector<16xf32>
        %mul3A_354 = arith.mulf %gather3A_49, %get3A_350 : vector<16xf32>
        %add3A_355 = arith.addf %add3A_353, %mul3A_354 : vector<16xf32>
        %mul3A_356 = arith.constant 256 : i32
        %mul3A_357 = arith.muli %scan3A_34, %mul3A_356 : i32
        %add3A_358 = arith.constant 192 : i32
        %add3A_359 = arith.addi %mul3A_357, %add3A_358 : i32
        %swap3A_360 = arith.index_cast %add3A_359 : i32 to index
        %swap3A_361 = tpu.vector_load %arg9[%swap3A_360] {strides = array<i32>} : memref<16384xf32, #tpu.memory_space<vmem>>, vector<16xf32>,
        tpu.vector_store %arg9[%swap3A_360], %add3A_355 {strides = array<i32>} : memref<16384xf32, #tpu.memory_space<vmem>>, vector<16xf32>,
        %get3A_362 = arith.index_cast %mul3A_51 : i32 to index
        %get3A_363 = arith.constant 208 : index
        %get3A_364 = tpu.vector_load %arg8[%get3A_362, %get3A_363] {strides = array<i32>} : memref<192x256xf32, #tpu.memory_space<vmem>>, vector<16xf32>,
        %add3A_365 = arith.constant 1 : i32
        %add3A_366 = arith.addi %mul3A_51, %add3A_365 : i32
        %get3A_367 = arith.index_cast %add3A_366 : i32 to index
        %get3A_368 = arith.constant 208 : index
        %get3A_369 = tpu.vector_load %arg8[%get3A_367, %get3A_368] {strides = array<i32>} : memref<192x256xf32, #tpu.memory_space<vmem>>, vector<16xf32>,
        %add3A_370 = arith.constant 2 : i32
        %add3A_371 = arith.addi %mul3A_51, %add3A_370 : i32
        %get3A_372 = arith.index_cast %add3A_371 : i32 to index
        %get3A_373 = arith.constant 208 : index
        %get3A_374 = tpu.vector_load %arg8[%get3A_372, %get3A_373] {strides = array<i32>} : memref<192x256xf32, #tpu.memory_space<vmem>>, vector<16xf32>,
        %mul3A_375 = arith.mulf %gather3A, %get3A_364 : vector<16xf32>
        %mul3A_376 = arith.mulf %gather3A_45, %get3A_369 : vector<16xf32>
        %add3A_377 = arith.addf %mul3A_375, %mul3A_376 : vector<16xf32>
        %mul3A_378 = arith.mulf %gather3A_49, %get3A_374 : vector<16xf32>
        %add3A_379 = arith.addf %add3A_377, %mul3A_378 : vector<16xf32>
        %mul3A_380 = arith.constant 256 : i32
        %mul3A_381 = arith.muli %scan3A_34, %mul3A_380 : i32
        %add3A_382 = arith.constant 208 : i32
        %add3A_383 = arith.addi %mul3A_381, %add3A_382 : i32
        %swap3A_384 = arith.index_cast %add3A_383 : i32 to index
        %swap3A_385 = tpu.vector_load %arg9[%swap3A_384] {strides = array<i32>} : memref<16384xf32, #tpu.memory_space<vmem>>, vector<16xf32>,
        tpu.vector_store %arg9[%swap3A_384], %add3A_379 {strides = array<i32>} : memref<16384xf32, #tpu.memory_space<vmem>>, vector<16xf32>,
        %get3A_386 = arith.index_cast %mul3A_51 : i32 to index
        %get3A_387 = arith.constant 224 : index
        %get3A_388 = tpu.vector_load %arg8[%get3A_386, %get3A_387] {strides = array<i32>} : memref<192x256xf32, #tpu.memory_space<vmem>>, vector<16xf32>,
        %add3A_389 = arith.constant 1 : i32
        %add3A_390 = arith.addi %mul3A_51, %add3A_389 : i32
        %get3A_391 = arith.index_cast %add3A_390 : i32 to index
        %get3A_392 = arith.constant 224 : index
        %get3A_393 = tpu.vector_load %arg8[%get3A_391, %get3A_392] {strides = array<i32>} : memref<192x256xf32, #tpu.memory_space<vmem>>, vector<16xf32>,
        %add3A_394 = arith.constant 2 : i32
        %add3A_395 = arith.addi %mul3A_51, %add3A_394 : i32
        %get3A_396 = arith.index_cast %add3A_395 : i32 to index
        %get3A_397 = arith.constant 224 : index
        %get3A_398 = tpu.vector_load %arg8[%get3A_396, %get3A_397] {strides = array<i32>} : memref<192x256xf32, #tpu.memory_space<vmem>>, vector<16xf32>,
        %mul3A_399 = arith.mulf %gather3A, %get3A_388 : vector<16xf32>
        %mul3A_400 = arith.mulf %gather3A_45, %get3A_393 : vector<16xf32>
        %add3A_401 = arith.addf %mul3A_399, %mul3A_400 : vector<16xf32>
        %mul3A_402 = arith.mulf %gather3A_49, %get3A_398 : vector<16xf32>
        %add3A_403 = arith.addf %add3A_401, %mul3A_402 : vector<16xf32>
        %mul3A_404 = arith.constant 256 : i32
        %mul3A_405 = arith.muli %scan3A_34, %mul3A_404 : i32
        %add3A_406 = arith.constant 224 : i32
        %add3A_407 = arith.addi %mul3A_405, %add3A_406 : i32
        %swap3A_408 = arith.index_cast %add3A_407 : i32 to index
        %swap3A_409 = tpu.vector_load %arg9[%swap3A_408] {strides = array<i32>} : memref<16384xf32, #tpu.memory_space<vmem>>, vector<16xf32>,
        tpu.vector_store %arg9[%swap3A_408], %add3A_403 {strides = array<i32>} : memref<16384xf32, #tpu.memory_space<vmem>>, vector<16xf32>,
        %get3A_410 = arith.index_cast %mul3A_51 : i32 to index
        %get3A_411 = arith.constant 240 : index
        %get3A_412 = tpu.vector_load %arg8[%get3A_410, %get3A_411] {strides = array<i32>} : memref<192x256xf32, #tpu.memory_space<vmem>>, vector<16xf32>,
        %add3A_413 = arith.constant 1 : i32
        %add3A_414 = arith.addi %mul3A_51, %add3A_413 : i32
        %get3A_415 = arith.index_cast %add3A_414 : i32 to index
        %get3A_416 = arith.constant 240 : index
        %get3A_417 = tpu.vector_load %arg8[%get3A_415, %get3A_416] {strides = array<i32>} : memref<192x256xf32, #tpu.memory_space<vmem>>, vector<16xf32>,
        %add3A_418 = arith.constant 2 : i32
        %add3A_419 = arith.addi %mul3A_51, %add3A_418 : i32
        %get3A_420 = arith.index_cast %add3A_419 : i32 to index
        %get3A_421 = arith.constant 240 : index
        %get3A_422 = tpu.vector_load %arg8[%get3A_420, %get3A_421] {strides = array<i32>} : memref<192x256xf32, #tpu.memory_space<vmem>>, vector<16xf32>,
        %mul3A_423 = arith.mulf %gather3A, %get3A_412 : vector<16xf32>
        %mul3A_424 = arith.mulf %gather3A_45, %get3A_417 : vector<16xf32>
        %add3A_425 = arith.addf %mul3A_423, %mul3A_424 : vector<16xf32>
        %mul3A_426 = arith.mulf %gather3A_49, %get3A_422 : vector<16xf32>
        %add3A_427 = arith.addf %add3A_425, %mul3A_426 : vector<16xf32>
        %mul3A_428 = arith.constant 256 : i32
        %mul3A_429 = arith.muli %scan3A_34, %mul3A_428 : i32
        %add3A_430 = arith.constant 240 : i32
        %add3A_431 = arith.addi %mul3A_429, %add3A_430 : i32
        %swap3A_432 = arith.index_cast %add3A_431 : i32 to index
        %swap3A_433 = tpu.vector_load %arg9[%swap3A_432] {strides = array<i32>} : memref<16384xf32, #tpu.memory_space<vmem>>, vector<16xf32>,
        tpu.vector_store %arg9[%swap3A_432], %add3A_427 {strides = array<i32>} : memref<16384xf32, #tpu.memory_space<vmem>>, vector<16xf32>,
      }
      %scan3A_28 = arith.constant 64 : i32
      %mul3A_29 = arith.constant 64 : i32
      %mul3A_30 = arith.muli %scan3A_12, %mul3A_29 : i32
      %add3A_31 = arith.addi %mul3A_2, %mul3A_30 : i32
      %mul3A_32 = arith.constant 256 : i32
      %mul3A_33 = arith.muli %add3A_31, %mul3A_32 : i32
      "tpu.region"() ({
        %run_scoped3A = tpu.sem_alloc : memref<!tpu.dma_semaphore, #tpu.memory_space<semaphore_mem>>
        %dma_start3A_34 = tpu.memref_slice %arg5[%mul3A_33] : memref<16777216xf32, #tpu.memory_space<hbm>> -> memref<16384xf32, #tpu.memory_space<hbm>>
        %dma_start3A_35 = tpu.memref_slice %arg5[%mul3A_33] : memref<16777216xf32, #tpu.memory_space<hbm>> -> memref<16384xf32, #tpu.memory_space<hbm>>
        tpu.enqueue_dma source(%arg9 : memref<16384xf32, #tpu.memory_space<vmem>>) target(%dma_start3A_35 : memref<16384xf32, #tpu.memory_space<hbm>>) target_semaphore(%run_scoped3A : memref<!tpu.dma_semaphore, #tpu.memory_space<semaphore_mem>>)
        %dma_wait3A_36 = tpu.memref_slice %arg5[%mul3A_33] : memref<16777216xf32, #tpu.memory_space<hbm>> -> memref<16384xf32, #tpu.memory_space<hbm>>
        %dma_wait3A_37 = tpu.memref_slice %arg5[%mul3A_33] : memref<16777216xf32, #tpu.memory_space<hbm>> -> memref<16384xf32, #tpu.memory_space<hbm>>
        tpu.wait_dma2 semaphore(%run_scoped3A : memref<!tpu.dma_semaphore, #tpu.memory_space<semaphore_mem>>) src(%arg9 : memref<16384xf32, #tpu.memory_space<vmem>>) dst(%dma_wait3A_37 : memref<16384xf32, #tpu.memory_space<hbm>>)
        tpu.yield
      }) : () -> ()
    }
    %scan3A_11 = arith.constant 32 : i32
    return
  }
}

module attributes {stable_mosaic.version = 14 : i64} {
  func.func @_topk_kernel(%arg0: i32, %arg1: i32, %arg2: memref<1x1024x3xf32, #tpu.memory_space<vmem>>, %arg3: memref<1x3x1024xf32, #tpu.memory_space<vmem>>, %arg4: memref<1x1024x3xi32, #tpu.memory_space<vmem>>, %arg5: memref<1x1024x3xf32, #tpu.memory_space<vmem>>) attributes {dimension_semantics = [#tpu.dimension_semantics<arbitrary>, #tpu.dimension_semantics<arbitrary>], iteration_bounds = array<i64: 16, 4>, scalar_prefetch = 0 : i64, scratch_operands = 0 : i64, tpu.core_type = #tpu.core_type<tc>, window_params = [{transform_indices = @transform_0, window_bounds = array<i64: 1, 1024, 3>}, {transform_indices = @transform_1, window_bounds = array<i64: 1, 3, 1024>}, {transform_indices = @transform_2, window_bounds = array<i64: 1, 1024, 3>}, {transform_indices = @transform_3, window_bounds = array<i64: 1, 1024, 3>}]} {
    %get3A = arith.constant 0 : index
    %get3A_0 = arith.constant 0 : index
    %get3A_1 = arith.constant 0 : index
    %get3A_2 = vector.load %arg2[%get3A, %get3A_0, %get3A_1] : memref<1x1024x3xf32, #tpu.memory_space<vmem>>, vector<1x1024x3xf32>
    %get3A_3 = vector.shape_cast %get3A_2 : vector<1x1024x3xf32> to vector<1024x3xf32>
    %get3A_4 = arith.constant 0 : index
    %get3A_5 = arith.constant 0 : index
    %get3A_6 = arith.constant 0 : index
    %get3A_7 = vector.load %arg3[%get3A_4, %get3A_5, %get3A_6] : memref<1x3x1024xf32, #tpu.memory_space<vmem>>, vector<1x3x1024xf32>
    %get3A_8 = vector.shape_cast %get3A_7 : vector<1x3x1024xf32> to vector<3x1024xf32>
    %convert_element_type3A = arith.truncf %get3A_3 : vector<1024x3xf32> to vector<1024x3xbf16>
    %convert_element_type3A_9 = arith.truncf %get3A_8 : vector<3x1024xf32> to vector<3x1024xbf16>
    %dot_general3A = arith.constant dense<0.000000e+00> : vector<1024x1024xf32>
    %dot_general3A_10 = tpu.matmul %convert_element_type3A, %convert_element_type3A_9, %dot_general3A {dimension_numbers = #tpu.dot_dimension_numbers<[1], [0], [0], [1], [0, 0, 1, 1], [], []>, transpose_lhs_hint = false} : vector<1024x3xbf16>, vector<3x1024xbf16>, vector<1024x1024xf32> -> vector<1024x1024xf32>
    %mul3A = arith.mulf %get3A_3, %get3A_3 : vector<1024x3xf32>
    %reduce_sum3A = arith.constant dense<0.000000e+00> : vector<1024xf32>
    %reduce_sum3A_11 = vector.multi_reduction <add>, %mul3A, %reduce_sum3A [1] : vector<1024x3xf32> to vector<1024xf32>
    %broadcast_in_dim3A = vector.shape_cast %reduce_sum3A_11 : vector<1024xf32> to vector<1024x1xf32>
    %mul3A_12 = arith.mulf %get3A_8, %get3A_8 : vector<3x1024xf32>
    %reduce_sum3A_13 = arith.constant dense<0.000000e+00> : vector<1024xf32>
    %reduce_sum3A_14 = vector.multi_reduction <add>, %mul3A_12, %reduce_sum3A_13 [0] : vector<3x1024xf32> to vector<1024xf32>
    %broadcast_in_dim3A_15 = vector.shape_cast %reduce_sum3A_14 : vector<1024xf32> to vector<1x1024xf32>
    %mul3A_16 = arith.constant 2.000000e+00 : f32
    %mul3A_17 = vector.broadcast %mul3A_16 : f32 to vector<1024x1024xf32>
    %mul3A_18 = arith.mulf %mul3A_17, %dot_general3A_10 : vector<1024x1024xf32>
    %sub3A = vector.broadcast %broadcast_in_dim3A_15 : vector<1x1024xf32> to vector<1024x1024xf32>
    %sub3A_19 = arith.subf %sub3A, %mul3A_18 : vector<1024x1024xf32>
    %iota3A = tpu.iota {dimensions = array<i32: 1>} : vector<1024x1024xi32>
    %broadcast_in_dim3A_20 = arith.constant 0.000000e+00 : f32
    %broadcast_in_dim3A_21 = vector.broadcast %broadcast_in_dim3A_20 : f32 to vector<1024x1xf32>
    %reduce_min3A = arith.constant dense<0x7F800000> : vector<1024xf32>
    %reduce_min3A_22 = vector.multi_reduction <minimumf>, %sub3A_19, %reduce_min3A [1] : vector<1024x1024xf32> to vector<1024xf32>
    %broadcast_in_dim3A_23 = vector.shape_cast %reduce_min3A_22 : vector<1024xf32> to vector<1024x1xf32>
    %eq3A = vector.broadcast %broadcast_in_dim3A_23 : vector<1024x1xf32> to vector<1024x1024xf32>
    %eq3A_24 = arith.cmpf oeq, %sub3A_19, %eq3A : vector<1024x1024xf32>
    %jit3A = arith.constant 1024 : i32
    %broadcast_in_dim3A_25 = vector.broadcast %jit3A : i32 to vector<1024x1024xi32>
    %select_n3A = arith.select %eq3A_24, %iota3A, %broadcast_in_dim3A_25 : vector<1024x1024xi1>, vector<1024x1024xi32>
    %reduce_min3A_26 = arith.constant dense<2147483647> : vector<1024xi32>
    %reduce_min3A_27 = vector.multi_reduction <minsi>, %select_n3A, %reduce_min3A_26 [1] : vector<1024x1024xi32> to vector<1024xi32>
    %broadcast_in_dim3A_28 = vector.shape_cast %reduce_min3A_27 : vector<1024xi32> to vector<1024x1xi32>
    %eq3A_29 = vector.broadcast %broadcast_in_dim3A_28 : vector<1024x1xi32> to vector<1024x1024xi32>
    %eq3A_30 = arith.cmpi eq, %iota3A, %eq3A_29 : vector<1024x1024xi32>
    %add3A = arith.addf %broadcast_in_dim3A_23, %broadcast_in_dim3A : vector<1024x1xf32>
    %max3A = arith.constant 0.000000e+00 : f32
    %max3A_31 = vector.broadcast %max3A : f32 to vector<1024x1xf32>
    %max3A_32 = arith.maximumf %add3A, %max3A_31 : vector<1024x1xf32>
    %add3A_33 = arith.constant 1.1920929E-7 : f32
    %add3A_34 = vector.broadcast %add3A_33 : f32 to vector<1024x1xf32>
    %add3A_35 = arith.addf %max3A_32, %add3A_34 : vector<1024x1xf32>
    %div3A = arith.constant 1.000000e+00 : f32
    %div3A_36 = vector.broadcast %div3A : f32 to vector<1024x1xf32>
    %div3A_37 = arith.divf %div3A_36, %add3A_35 : vector<1024x1xf32>
    %mul3A_38 = arith.constant 1024 : i32
    %mul3A_39 = arith.muli %arg0, %mul3A_38 : i32
    %add3A_40 = vector.broadcast %mul3A_39 : i32 to vector<1024x1xi32>
    %add3A_41 = arith.addi %broadcast_in_dim3A_28, %add3A_40 : vector<1024x1xi32>
    %add3A_42 = arith.addf %broadcast_in_dim3A_21, %div3A_37 : vector<1024x1xf32>
    %jit3A_43 = arith.constant 0x7F800000 : f32
    %broadcast_in_dim3A_44 = vector.broadcast %jit3A_43 : f32 to vector<1024x1024xf32>
    %select_n3A_45 = arith.select %eq3A_30, %broadcast_in_dim3A_44, %sub3A_19 : vector<1024x1024xi1>, vector<1024x1024xf32>
    %reduce_min3A_46 = arith.constant dense<0x7F800000> : vector<1024xf32>
    %reduce_min3A_47 = vector.multi_reduction <minimumf>, %select_n3A_45, %reduce_min3A_46 [1] : vector<1024x1024xf32> to vector<1024xf32>
    %broadcast_in_dim3A_48 = vector.shape_cast %reduce_min3A_47 : vector<1024xf32> to vector<1024x1xf32>
    %eq3A_49 = vector.broadcast %broadcast_in_dim3A_48 : vector<1024x1xf32> to vector<1024x1024xf32>
    %eq3A_50 = arith.cmpf oeq, %select_n3A_45, %eq3A_49 : vector<1024x1024xf32>
    %jit3A_51 = arith.constant 1024 : i32
    %broadcast_in_dim3A_52 = vector.broadcast %jit3A_51 : i32 to vector<1024x1024xi32>
    %select_n3A_53 = arith.select %eq3A_50, %iota3A, %broadcast_in_dim3A_52 : vector<1024x1024xi1>, vector<1024x1024xi32>
    %reduce_min3A_54 = arith.constant dense<2147483647> : vector<1024xi32>
    %reduce_min3A_55 = vector.multi_reduction <minsi>, %select_n3A_53, %reduce_min3A_54 [1] : vector<1024x1024xi32> to vector<1024xi32>
    %broadcast_in_dim3A_56 = vector.shape_cast %reduce_min3A_55 : vector<1024xi32> to vector<1024x1xi32>
    %eq3A_57 = vector.broadcast %broadcast_in_dim3A_56 : vector<1024x1xi32> to vector<1024x1024xi32>
    %eq3A_58 = arith.cmpi eq, %iota3A, %eq3A_57 : vector<1024x1024xi32>
    %add3A_59 = arith.addf %broadcast_in_dim3A_48, %broadcast_in_dim3A : vector<1024x1xf32>
    %max3A_60 = arith.constant 0.000000e+00 : f32
    %max3A_61 = vector.broadcast %max3A_60 : f32 to vector<1024x1xf32>
    %max3A_62 = arith.maximumf %add3A_59, %max3A_61 : vector<1024x1xf32>
    %add3A_63 = arith.constant 1.1920929E-7 : f32
    %add3A_64 = vector.broadcast %add3A_63 : f32 to vector<1024x1xf32>
    %add3A_65 = arith.addf %max3A_62, %add3A_64 : vector<1024x1xf32>
    %div3A_66 = arith.constant 1.000000e+00 : f32
    %div3A_67 = vector.broadcast %div3A_66 : f32 to vector<1024x1xf32>
    %div3A_68 = arith.divf %div3A_67, %add3A_65 : vector<1024x1xf32>
    %mul3A_69 = arith.constant 1024 : i32
    %mul3A_70 = arith.muli %arg0, %mul3A_69 : i32
    %add3A_71 = vector.broadcast %mul3A_70 : i32 to vector<1024x1xi32>
    %add3A_72 = arith.addi %broadcast_in_dim3A_56, %add3A_71 : vector<1024x1xi32>
    %add3A_73 = arith.addf %add3A_42, %div3A_68 : vector<1024x1xf32>
    %jit3A_74 = arith.constant 0x7F800000 : f32
    %broadcast_in_dim3A_75 = vector.broadcast %jit3A_74 : f32 to vector<1024x1024xf32>
    %select_n3A_76 = arith.select %eq3A_58, %broadcast_in_dim3A_75, %select_n3A_45 : vector<1024x1024xi1>, vector<1024x1024xf32>
    %reduce_min3A_77 = arith.constant dense<0x7F800000> : vector<1024xf32>
    %reduce_min3A_78 = vector.multi_reduction <minimumf>, %select_n3A_76, %reduce_min3A_77 [1] : vector<1024x1024xf32> to vector<1024xf32>
    %broadcast_in_dim3A_79 = vector.shape_cast %reduce_min3A_78 : vector<1024xf32> to vector<1024x1xf32>
    %eq3A_80 = vector.broadcast %broadcast_in_dim3A_79 : vector<1024x1xf32> to vector<1024x1024xf32>
    %eq3A_81 = arith.cmpf oeq, %select_n3A_76, %eq3A_80 : vector<1024x1024xf32>
    %jit3A_82 = arith.constant 1024 : i32
    %broadcast_in_dim3A_83 = vector.broadcast %jit3A_82 : i32 to vector<1024x1024xi32>
    %select_n3A_84 = arith.select %eq3A_81, %iota3A, %broadcast_in_dim3A_83 : vector<1024x1024xi1>, vector<1024x1024xi32>
    %reduce_min3A_85 = arith.constant dense<2147483647> : vector<1024xi32>
    %reduce_min3A_86 = vector.multi_reduction <minsi>, %select_n3A_84, %reduce_min3A_85 [1] : vector<1024x1024xi32> to vector<1024xi32>
    %broadcast_in_dim3A_87 = vector.shape_cast %reduce_min3A_86 : vector<1024xi32> to vector<1024x1xi32>
    %add3A_88 = arith.addf %broadcast_in_dim3A_79, %broadcast_in_dim3A : vector<1024x1xf32>
    %max3A_89 = arith.constant 0.000000e+00 : f32
    %max3A_90 = vector.broadcast %max3A_89 : f32 to vector<1024x1xf32>
    %max3A_91 = arith.maximumf %add3A_88, %max3A_90 : vector<1024x1xf32>
    %add3A_92 = arith.constant 1.1920929E-7 : f32
    %add3A_93 = vector.broadcast %add3A_92 : f32 to vector<1024x1xf32>
    %add3A_94 = arith.addf %max3A_91, %add3A_93 : vector<1024x1xf32>
    %div3A_95 = arith.constant 1.000000e+00 : f32
    %div3A_96 = vector.broadcast %div3A_95 : f32 to vector<1024x1xf32>
    %div3A_97 = arith.divf %div3A_96, %add3A_94 : vector<1024x1xf32>
    %mul3A_98 = arith.constant 1024 : i32
    %mul3A_99 = arith.muli %arg0, %mul3A_98 : i32
    %add3A_100 = vector.broadcast %mul3A_99 : i32 to vector<1024x1xi32>
    %add3A_101 = arith.addi %broadcast_in_dim3A_87, %add3A_100 : vector<1024x1xi32>
    %add3A_102 = arith.addf %add3A_73, %div3A_97 : vector<1024x1xf32>
    %concatenate3A = tpu.concatenate %add3A_41, %add3A_72, %add3A_101 in 1 : vector<1024x1xi32>, vector<1024x1xi32>, vector<1024x1xi32> -> vector<1024x3xi32>
    %swap3A = arith.constant 0 : index
    %swap3A_103 = arith.constant 0 : index
    %swap3A_104 = arith.constant 0 : index
    %swap3A_105 = vector.load %arg4[%swap3A, %swap3A_103, %swap3A_104] : memref<1x1024x3xi32, #tpu.memory_space<vmem>>, vector<1x1024x3xi32>
    %swap3A_106 = vector.shape_cast %swap3A_105 : vector<1x1024x3xi32> to vector<1024x3xi32>
    %swap3A_107 = vector.shape_cast %concatenate3A : vector<1024x3xi32> to vector<1x1024x3xi32>
    tpu.vector_store %arg4[%swap3A, %swap3A_103, %swap3A_104], %swap3A_107 {strides = array<i32>} : memref<1x1024x3xi32, #tpu.memory_space<vmem>>, vector<1x1024x3xi32>,
    %concatenate3A_108 = tpu.concatenate %div3A_37, %div3A_68, %div3A_97 in 1 : vector<1024x1xf32>, vector<1024x1xf32>, vector<1024x1xf32> -> vector<1024x3xf32>
    %div3A_109 = vector.broadcast %add3A_102 : vector<1024x1xf32> to vector<1024x3xf32>
    %div3A_110 = arith.divf %concatenate3A_108, %div3A_109 : vector<1024x3xf32>
    %swap3A_111 = arith.constant 0 : index
    %swap3A_112 = arith.constant 0 : index
    %swap3A_113 = arith.constant 0 : index
    %swap3A_114 = vector.load %arg5[%swap3A_111, %swap3A_112, %swap3A_113] : memref<1x1024x3xf32, #tpu.memory_space<vmem>>, vector<1x1024x3xf32>
    %swap3A_115 = vector.shape_cast %swap3A_114 : vector<1x1024x3xf32> to vector<1024x3xf32>
    %swap3A_116 = vector.shape_cast %div3A_110 : vector<1024x3xf32> to vector<1x1024x3xf32>
    tpu.vector_store %arg5[%swap3A_111, %swap3A_112, %swap3A_113], %swap3A_116 {strides = array<i32>} : memref<1x1024x3xf32, #tpu.memory_space<vmem>>, vector<1x1024x3xf32>,
    return
  }
  func.func @transform_0(%arg0: i32, %arg1: i32) -> (i32, i32, i32) {
    %c0_i32 = arith.constant 0 : i32
    %c0_i32_0 = arith.constant 0 : i32
    return %arg0, %arg1, %c0_i32 : i32, i32, i32
  }
  func.func @transform_1(%arg0: i32, %arg1: i32) -> (i32, i32, i32) {
    %c0_i32 = arith.constant 0 : i32
    %c0_i32_0 = arith.constant 0 : i32
    %c0_i32_1 = arith.constant 0 : i32
    return %arg0, %c0_i32, %c0_i32_0 : i32, i32, i32
  }
  func.func @transform_2(%arg0: i32, %arg1: i32) -> (i32, i32, i32) {
    %c0_i32 = arith.constant 0 : i32
    %c0_i32_0 = arith.constant 0 : i32
    return %arg0, %arg1, %c0_i32 : i32, i32, i32
  }
  func.func @transform_3(%arg0: i32, %arg1: i32) -> (i32, i32, i32) {
    %c0_i32 = arith.constant 0 : i32
    %c0_i32_0 = arith.constant 0 : i32
    return %arg0, %arg1, %c0_i32 : i32, i32, i32
  }
}

module attributes {stable_mosaic.version = 14 : i64} {
  func.func @_proj_kernel(%arg0: i32, %arg1: memref<1x1024x256xf32, #tpu.memory_space<vmem>>, %arg2: memref<256x256xf32, #tpu.memory_space<vmem>>, %arg3: memref<1x1024x256xf32, #tpu.memory_space<vmem>>) attributes {dimension_semantics = [#tpu.dimension_semantics<arbitrary>], iteration_bounds = array<i64: 16>, scalar_prefetch = 0 : i64, scratch_operands = 0 : i64, tpu.core_type = #tpu.core_type<tc>, window_params = [{transform_indices = @transform_0, window_bounds = array<i64: 1, 1024, 256>}, {pipeline_mode = #tpu.pipeline_mode<synchronous>, transform_indices = @transform_1, window_bounds = array<i64: 256, 256>}, {transform_indices = @transform_2, window_bounds = array<i64: 1, 1024, 256>}]} {
    %get3A = arith.constant 0 : index
    %get3A_0 = arith.constant 0 : index
    %get3A_1 = arith.constant 0 : index
    %get3A_2 = vector.load %arg1[%get3A, %get3A_0, %get3A_1] : memref<1x1024x256xf32, #tpu.memory_space<vmem>>, vector<1x1024x256xf32>
    %get3A_3 = vector.shape_cast %get3A_2 : vector<1x1024x256xf32> to vector<1024x256xf32>
    %get3A_4 = arith.constant 0 : index
    %get3A_5 = arith.constant 0 : index
    %get3A_6 = vector.load %arg2[%get3A_4, %get3A_5] : memref<256x256xf32, #tpu.memory_space<vmem>>, vector<256x256xf32>
    %dot_general3A = arith.constant dense<0.000000e+00> : vector<1024x256xf32>
    %dot_general3A_7 = tpu.matmul %get3A_3, %get3A_6, %dot_general3A {dimension_numbers = #tpu.dot_dimension_numbers<[1], [0], [0], [1], [0, 0, 1, 1], [], []>, transpose_lhs_hint = false} : vector<1024x256xf32>, vector<256x256xf32>, vector<1024x256xf32> -> vector<1024x256xf32>
    %swap3A = arith.constant 0 : index
    %swap3A_8 = arith.constant 0 : index
    %swap3A_9 = arith.constant 0 : index
    %swap3A_10 = vector.load %arg3[%swap3A, %swap3A_8, %swap3A_9] : memref<1x1024x256xf32, #tpu.memory_space<vmem>>, vector<1x1024x256xf32>
    %swap3A_11 = vector.shape_cast %swap3A_10 : vector<1x1024x256xf32> to vector<1024x256xf32>
    %swap3A_12 = vector.shape_cast %dot_general3A_7 : vector<1024x256xf32> to vector<1x1024x256xf32>
    tpu.vector_store %arg3[%swap3A, %swap3A_8, %swap3A_9], %swap3A_12 {strides = array<i32>} : memref<1x1024x256xf32, #tpu.memory_space<vmem>>, vector<1x1024x256xf32>,
    return
  }
  func.func @transform_0(%arg0: i32) -> (i32, i32, i32) {
    %c0_i32 = arith.constant 0 : i32
    %c0_i32_0 = arith.constant 0 : i32
    %c0_i32_1 = arith.constant 0 : i32
    return %arg0, %c0_i32, %c0_i32_0 : i32, i32, i32
  }
  func.func @transform_1(%arg0: i32) -> (i32, i32) {
    %c0_i32 = arith.constant 0 : i32
    %c0_i32_0 = arith.constant 0 : i32
    %c0_i32_1 = arith.constant 0 : i32
    return %c0_i32, %c0_i32_0 : i32, i32
  }
  func.func @transform_2(%arg0: i32) -> (i32, i32, i32) {
    %c0_i32 = arith.constant 0 : i32
    %c0_i32_0 = arith.constant 0 : i32
    %c0_i32_1 = arith.constant 0 : i32
    return %arg0, %c0_i32, %c0_i32_0 : i32, i32, i32
  }
}

module attributes {stable_mosaic.version = 14 : i64} {
  func.func @_h1_kernel(%arg0: i32, %arg1: memref<2048x128xf32, #tpu.memory_space<vmem>>, %arg2: memref<2048x256xf32, #tpu.memory_space<vmem>>, %arg3: memref<128x256xbf16, #tpu.memory_space<vmem>>, %arg4: memref<2048x256xbf16, #tpu.memory_space<vmem>>, %arg5: memref<8x256xf32, #tpu.memory_space<vmem>>, %arg6: memref<8x256xf32, #tpu.memory_space<vmem>>) attributes {dimension_semantics = [#tpu.dimension_semantics<arbitrary>], iteration_bounds = array<i64: 32>, scalar_prefetch = 0 : i64, scratch_operands = 0 : i64, tpu.core_type = #tpu.core_type<tc>, window_params = [{transform_indices = @transform_0, window_bounds = array<i64: 2048, 128>}, {transform_indices = @transform_1, window_bounds = array<i64: 2048, 256>}, {pipeline_mode = #tpu.pipeline_mode<synchronous>, transform_indices = @transform_2, window_bounds = array<i64: 128, 256>}, {transform_indices = @transform_3, window_bounds = array<i64: 2048, 256>}, {pipeline_mode = #tpu.pipeline_mode<synchronous>, transform_indices = @transform_4, window_bounds = array<i64: 8, 256>}, {pipeline_mode = #tpu.pipeline_mode<synchronous>, transform_indices = @transform_5, window_bounds = array<i64: 8, 256>}]} {
    %get3A = arith.constant 0 : index
    %get3A_0 = arith.constant 0 : index
    %get3A_1 = vector.load %arg2[%get3A, %get3A_0] : memref<2048x256xf32, #tpu.memory_space<vmem>>, vector<2048x256xf32>
    %get3A_2 = arith.constant 0 : index
    %get3A_3 = arith.constant 0 : index
    %get3A_4 = vector.load %arg1[%get3A_2, %get3A_3] : memref<2048x128xf32, #tpu.memory_space<vmem>>, vector<2048x128xf32>
    %convert_element_type3A = arith.truncf %get3A_4 : vector<2048x128xf32> to vector<2048x128xbf16>
    %get3A_5 = arith.constant 0 : index
    %get3A_6 = arith.constant 0 : index
    %get3A_7 = vector.load %arg3[%get3A_5, %get3A_6] : memref<128x256xbf16, #tpu.memory_space<vmem>>, vector<128x256xbf16>
    %dot_general3A = arith.constant dense<0.000000e+00> : vector<2048x256xf32>
    %dot_general3A_8 = tpu.matmul %convert_element_type3A, %get3A_7, %dot_general3A {dimension_numbers = #tpu.dot_dimension_numbers<[1], [0], [0], [1], [0, 0, 1, 1], [], []>, transpose_lhs_hint = false} : vector<2048x128xbf16>, vector<128x256xbf16>, vector<2048x256xf32> -> vector<2048x256xf32>
    %add3A = arith.addf %get3A_1, %dot_general3A_8 : vector<2048x256xf32>
    %convert_element_type3A_9 = arith.truncf %add3A : vector<2048x256xf32> to vector<2048x256xbf16>
    %swap3A = arith.constant 0 : index
    %swap3A_10 = arith.constant 0 : index
    %swap3A_11 = vector.load %arg4[%swap3A, %swap3A_10] : memref<2048x256xbf16, #tpu.memory_space<vmem>>, vector<2048x256xbf16>
    tpu.vector_store %arg4[%swap3A, %swap3A_10], %convert_element_type3A_9 {strides = array<i32>} : memref<2048x256xbf16, #tpu.memory_space<vmem>>, vector<2048x256xbf16>,
    %eq3A = arith.constant 0 : i32
    %eq3A_12 = arith.cmpi eq, %arg0, %eq3A : i32
    %convert_element_type3A_13 = arith.extui %eq3A_12 : i1 to i32
    %cond3A = arith.constant 0 : i32
    %cond3A_14 = arith.cmpi ne, %convert_element_type3A_13, %cond3A : i32
    scf.if %cond3A_14 {
      %broadcast_in_dim3A = arith.constant 0.000000e+00 : f32
      %broadcast_in_dim3A_33 = vector.broadcast %broadcast_in_dim3A : f32 to vector<8x256xf32>
      %swap3A_34 = arith.constant 0 : index
      %swap3A_35 = arith.constant 0 : index
      %swap3A_36 = vector.load %arg5[%swap3A_34, %swap3A_35] : memref<8x256xf32, #tpu.memory_space<vmem>>, vector<8x256xf32>
      tpu.vector_store %arg5[%swap3A_34, %swap3A_35], %broadcast_in_dim3A_33 {strides = array<i32>} : memref<8x256xf32, #tpu.memory_space<vmem>>, vector<8x256xf32>,
      %broadcast_in_dim3A_37 = arith.constant 0.000000e+00 : f32
      %broadcast_in_dim3A_38 = vector.broadcast %broadcast_in_dim3A_37 : f32 to vector<8x256xf32>
      %swap3A_39 = arith.constant 0 : index
      %swap3A_40 = arith.constant 0 : index
      %swap3A_41 = vector.load %arg6[%swap3A_39, %swap3A_40] : memref<8x256xf32, #tpu.memory_space<vmem>>, vector<8x256xf32>
      tpu.vector_store %arg6[%swap3A_39, %swap3A_40], %broadcast_in_dim3A_38 {strides = array<i32>} : memref<8x256xf32, #tpu.memory_space<vmem>>, vector<8x256xf32>,
    } else {
    }
    %get3A_15 = arith.constant 0 : index
    %get3A_16 = arith.constant 0 : index
    %get3A_17 = vector.load %arg5[%get3A_15, %get3A_16] : memref<8x256xf32, #tpu.memory_space<vmem>>, vector<8x256xf32>
    %reshape3A = vector.shape_cast %add3A : vector<2048x256xf32> to vector<256x8x256xf32>
    %reduce_sum3A = arith.constant dense<0.000000e+00> : vector<8x256xf32>
    %reduce_sum3A_18 = vector.multi_reduction <add>, %reshape3A, %reduce_sum3A [0] : vector<256x8x256xf32> to vector<8x256xf32>
    %add3A_19 = arith.addf %get3A_17, %reduce_sum3A_18 : vector<8x256xf32>
    %swap3A_20 = arith.constant 0 : index
    %swap3A_21 = arith.constant 0 : index
    %swap3A_22 = vector.load %arg5[%swap3A_20, %swap3A_21] : memref<8x256xf32, #tpu.memory_space<vmem>>, vector<8x256xf32>
    tpu.vector_store %arg5[%swap3A_20, %swap3A_21], %add3A_19 {strides = array<i32>} : memref<8x256xf32, #tpu.memory_space<vmem>>, vector<8x256xf32>,
    %get3A_23 = arith.constant 0 : index
    %get3A_24 = arith.constant 0 : index
    %get3A_25 = vector.load %arg6[%get3A_23, %get3A_24] : memref<8x256xf32, #tpu.memory_space<vmem>>, vector<8x256xf32>
    %mul3A = arith.mulf %add3A, %add3A : vector<2048x256xf32>
    %reshape3A_26 = vector.shape_cast %mul3A : vector<2048x256xf32> to vector<256x8x256xf32>
    %reduce_sum3A_27 = arith.constant dense<0.000000e+00> : vector<8x256xf32>
    %reduce_sum3A_28 = vector.multi_reduction <add>, %reshape3A_26, %reduce_sum3A_27 [0] : vector<256x8x256xf32> to vector<8x256xf32>
    %add3A_29 = arith.addf %get3A_25, %reduce_sum3A_28 : vector<8x256xf32>
    %swap3A_30 = arith.constant 0 : index
    %swap3A_31 = arith.constant 0 : index
    %swap3A_32 = vector.load %arg6[%swap3A_30, %swap3A_31] : memref<8x256xf32, #tpu.memory_space<vmem>>, vector<8x256xf32>
    tpu.vector_store %arg6[%swap3A_30, %swap3A_31], %add3A_29 {strides = array<i32>} : memref<8x256xf32, #tpu.memory_space<vmem>>, vector<8x256xf32>,
    return
  }
  func.func @transform_0(%arg0: i32) -> (i32, i32) {
    %c0_i32 = arith.constant 0 : i32
    %c0_i32_0 = arith.constant 0 : i32
    return %arg0, %c0_i32 : i32, i32
  }
  func.func @transform_1(%arg0: i32) -> (i32, i32) {
    %c0_i32 = arith.constant 0 : i32
    %c0_i32_0 = arith.constant 0 : i32
    return %arg0, %c0_i32 : i32, i32
  }
  func.func @transform_2(%arg0: i32) -> (i32, i32) {
    %c0_i32 = arith.constant 0 : i32
    %c0_i32_0 = arith.constant 0 : i32
    %c0_i32_1 = arith.constant 0 : i32
    return %c0_i32, %c0_i32_0 : i32, i32
  }
  func.func @transform_3(%arg0: i32) -> (i32, i32) {
    %c0_i32 = arith.constant 0 : i32
    %c0_i32_0 = arith.constant 0 : i32
    return %arg0, %c0_i32 : i32, i32
  }
  func.func @transform_4(%arg0: i32) -> (i32, i32) {
    %c0_i32 = arith.constant 0 : i32
    %c0_i32_0 = arith.constant 0 : i32
    %c0_i32_1 = arith.constant 0 : i32
    return %c0_i32, %c0_i32_0 : i32, i32
  }
  func.func @transform_5(%arg0: i32) -> (i32, i32) {
    %c0_i32 = arith.constant 0 : i32
    %c0_i32_0 = arith.constant 0 : i32
    %c0_i32_1 = arith.constant 0 : i32
    return %c0_i32, %c0_i32_0 : i32, i32
  }
}

module attributes {stable_mosaic.version = 14 : i64} {
  func.func @_bn_gelu_stats_kernel(%arg0: i32, %arg1: memref<2048x256xbf16, #tpu.memory_space<vmem>>, %arg2: memref<8x256xf32, #tpu.memory_space<vmem>>, %arg3: memref<8x256xf32, #tpu.memory_space<vmem>>, %arg4: memref<1x256xf32, #tpu.memory_space<vmem>>, %arg5: memref<1x256xf32, #tpu.memory_space<vmem>>, %arg6: memref<256x256xbf16, #tpu.memory_space<vmem>>, %arg7: memref<8x256xf32, #tpu.memory_space<vmem>>, %arg8: memref<8x256xf32, #tpu.memory_space<vmem>>) attributes {dimension_semantics = [#tpu.dimension_semantics<arbitrary>], iteration_bounds = array<i64: 32>, scalar_prefetch = 0 : i64, scratch_operands = 0 : i64, tpu.core_type = #tpu.core_type<tc>, window_params = [{transform_indices = @transform_0, window_bounds = array<i64: 2048, 256>}, {pipeline_mode = #tpu.pipeline_mode<synchronous>, transform_indices = @transform_1, window_bounds = array<i64: 8, 256>}, {pipeline_mode = #tpu.pipeline_mode<synchronous>, transform_indices = @transform_2, window_bounds = array<i64: 8, 256>}, {pipeline_mode = #tpu.pipeline_mode<synchronous>, transform_indices = @transform_3, window_bounds = array<i64: 1, 256>}, {pipeline_mode = #tpu.pipeline_mode<synchronous>, transform_indices = @transform_4, window_bounds = array<i64: 1, 256>}, {pipeline_mode = #tpu.pipeline_mode<synchronous>, transform_indices = @transform_5, window_bounds = array<i64: 256, 256>}, {pipeline_mode = #tpu.pipeline_mode<synchronous>, transform_indices = @transform_6, window_bounds = array<i64: 8, 256>}, {pipeline_mode = #tpu.pipeline_mode<synchronous>, transform_indices = @transform_7, window_bounds = array<i64: 8, 256>}]} {
    %get3A = arith.constant 0 : index
    %get3A_0 = arith.constant 0 : index
    %get3A_1 = vector.load %arg2[%get3A, %get3A_0] : memref<8x256xf32, #tpu.memory_space<vmem>>, vector<8x256xf32>
    %reduce_sum3A = arith.constant dense<0.000000e+00> : vector<256xf32>
    %reduce_sum3A_2 = vector.multi_reduction <add>, %get3A_1, %reduce_sum3A [0] : vector<8x256xf32> to vector<256xf32>
    %broadcast_in_dim3A = vector.shape_cast %reduce_sum3A_2 : vector<256xf32> to vector<1x256xf32>
    %div3A = arith.constant 6.553600e+04 : f32
    %div3A_3 = vector.broadcast %div3A : f32 to vector<1x256xf32>
    %div3A_4 = arith.divf %broadcast_in_dim3A, %div3A_3 : vector<1x256xf32>
    %get3A_5 = arith.constant 0 : index
    %get3A_6 = arith.constant 0 : index
    %get3A_7 = vector.load %arg3[%get3A_5, %get3A_6] : memref<8x256xf32, #tpu.memory_space<vmem>>, vector<8x256xf32>
    %reduce_sum3A_8 = arith.constant dense<0.000000e+00> : vector<256xf32>
    %reduce_sum3A_9 = vector.multi_reduction <add>, %get3A_7, %reduce_sum3A_8 [0] : vector<8x256xf32> to vector<256xf32>
    %broadcast_in_dim3A_10 = vector.shape_cast %reduce_sum3A_9 : vector<256xf32> to vector<1x256xf32>
    %div3A_11 = arith.constant 6.553600e+04 : f32
    %div3A_12 = vector.broadcast %div3A_11 : f32 to vector<1x256xf32>
    %div3A_13 = arith.divf %broadcast_in_dim3A_10, %div3A_12 : vector<1x256xf32>
    %mul3A = arith.mulf %div3A_4, %div3A_4 : vector<1x256xf32>
    %sub3A = arith.subf %div3A_13, %mul3A : vector<1x256xf32>
    %get3A_14 = arith.constant 0 : index
    %get3A_15 = arith.constant 0 : index
    %get3A_16 = vector.load %arg4[%get3A_14, %get3A_15] : memref<1x256xf32, #tpu.memory_space<vmem>>, vector<1x256xf32>
    %add3A = arith.constant 9.99999974E-6 : f32
    %add3A_17 = vector.broadcast %add3A : f32 to vector<1x256xf32>
    %add3A_18 = arith.addf %sub3A, %add3A_17 : vector<1x256xf32>
    %rsqrt3A = math.rsqrt %add3A_18 : vector<1x256xf32>
    %mul3A_19 = arith.mulf %get3A_16, %rsqrt3A : vector<1x256xf32>
    %get3A_20 = arith.constant 0 : index
    %get3A_21 = arith.constant 0 : index
    %get3A_22 = vector.load %arg1[%get3A_20, %get3A_21] : memref<2048x256xbf16, #tpu.memory_space<vmem>>, vector<2048x256xbf16>
    %convert_element_type3A = arith.extf %get3A_22 : vector<2048x256xbf16> to vector<2048x256xf32>
    %sub3A_23 = vector.broadcast %div3A_4 : vector<1x256xf32> to vector<2048x256xf32>
    %sub3A_24 = arith.subf %convert_element_type3A, %sub3A_23 : vector<2048x256xf32>
    %mul3A_25 = vector.broadcast %mul3A_19 : vector<1x256xf32> to vector<2048x256xf32>
    %mul3A_26 = arith.mulf %sub3A_24, %mul3A_25 : vector<2048x256xf32>
    %get3A_27 = arith.constant 0 : index
    %get3A_28 = arith.constant 0 : index
    %get3A_29 = vector.load %arg5[%get3A_27, %get3A_28] : memref<1x256xf32, #tpu.memory_space<vmem>>, vector<1x256xf32>
    %add3A_30 = vector.broadcast %get3A_29 : vector<1x256xf32> to vector<2048x256xf32>
    %add3A_31 = arith.addf %mul3A_26, %add3A_30 : vector<2048x256xf32>
    %mul3A_32 = arith.constant 5.000000e-01 : f32
    %mul3A_33 = vector.broadcast %mul3A_32 : f32 to vector<2048x256xf32>
    %mul3A_34 = arith.mulf %mul3A_33, %add3A_31 : vector<2048x256xf32>
    %mul3A_35 = arith.constant 0.707106769 : f32
    %mul3A_36 = vector.broadcast %mul3A_35 : f32 to vector<2048x256xf32>
    %mul3A_37 = arith.mulf %add3A_31, %mul3A_36 : vector<2048x256xf32>
    %erf3A = math.erf %mul3A_37 : vector<2048x256xf32>
    %add3A_38 = arith.constant 1.000000e+00 : f32
    %add3A_39 = vector.broadcast %add3A_38 : f32 to vector<2048x256xf32>
    %add3A_40 = arith.addf %add3A_39, %erf3A : vector<2048x256xf32>
    %mul3A_41 = arith.mulf %mul3A_34, %add3A_40 : vector<2048x256xf32>
    %convert_element_type3A_42 = arith.truncf %mul3A_41 : vector<2048x256xf32> to vector<2048x256xbf16>
    %get3A_43 = arith.constant 0 : index
    %get3A_44 = arith.constant 0 : index
    %get3A_45 = vector.load %arg6[%get3A_43, %get3A_44] : memref<256x256xbf16, #tpu.memory_space<vmem>>, vector<256x256xbf16>
    %dot_general3A = arith.constant dense<0.000000e+00> : vector<2048x256xf32>
    %dot_general3A_46 = tpu.matmul %convert_element_type3A_42, %get3A_45, %dot_general3A {dimension_numbers = #tpu.dot_dimension_numbers<[1], [0], [0], [1], [0, 0, 1, 1], [], []>, transpose_lhs_hint = false} : vector<2048x256xbf16>, vector<256x256xbf16>, vector<2048x256xf32> -> vector<2048x256xf32>
    %eq3A = arith.constant 0 : i32
    %eq3A_47 = arith.cmpi eq, %arg0, %eq3A : i32
    %convert_element_type3A_48 = arith.extui %eq3A_47 : i1 to i32
    %cond3A = arith.constant 0 : i32
    %cond3A_49 = arith.cmpi ne, %convert_element_type3A_48, %cond3A : i32
    scf.if %cond3A_49 {
      %broadcast_in_dim3A_69 = arith.constant 0.000000e+00 : f32
      %broadcast_in_dim3A_70 = vector.broadcast %broadcast_in_dim3A_69 : f32 to vector<8x256xf32>
      %swap3A_71 = arith.constant 0 : index
      %swap3A_72 = arith.constant 0 : index
      %swap3A_73 = vector.load %arg7[%swap3A_71, %swap3A_72] : memref<8x256xf32, #tpu.memory_space<vmem>>, vector<8x256xf32>
      tpu.vector_store %arg7[%swap3A_71, %swap3A_72], %broadcast_in_dim3A_70 {strides = array<i32>} : memref<8x256xf32, #tpu.memory_space<vmem>>, vector<8x256xf32>,
      %broadcast_in_dim3A_74 = arith.constant 0.000000e+00 : f32
      %broadcast_in_dim3A_75 = vector.broadcast %broadcast_in_dim3A_74 : f32 to vector<8x256xf32>
      %swap3A_76 = arith.constant 0 : index
      %swap3A_77 = arith.constant 0 : index
      %swap3A_78 = vector.load %arg8[%swap3A_76, %swap3A_77] : memref<8x256xf32, #tpu.memory_space<vmem>>, vector<8x256xf32>
      tpu.vector_store %arg8[%swap3A_76, %swap3A_77], %broadcast_in_dim3A_75 {strides = array<i32>} : memref<8x256xf32, #tpu.memory_space<vmem>>, vector<8x256xf32>,
    } else {
    }
    %get3A_50 = arith.constant 0 : index
    %get3A_51 = arith.constant 0 : index
    %get3A_52 = vector.load %arg7[%get3A_50, %get3A_51] : memref<8x256xf32, #tpu.memory_space<vmem>>, vector<8x256xf32>
    %reshape3A = vector.shape_cast %dot_general3A_46 : vector<2048x256xf32> to vector<256x8x256xf32>
    %reduce_sum3A_53 = arith.constant dense<0.000000e+00> : vector<8x256xf32>
    %reduce_sum3A_54 = vector.multi_reduction <add>, %reshape3A, %reduce_sum3A_53 [0] : vector<256x8x256xf32> to vector<8x256xf32>
    %add3A_55 = arith.addf %get3A_52, %reduce_sum3A_54 : vector<8x256xf32>
    %swap3A = arith.constant 0 : index
    %swap3A_56 = arith.constant 0 : index
    %swap3A_57 = vector.load %arg7[%swap3A, %swap3A_56] : memref<8x256xf32, #tpu.memory_space<vmem>>, vector<8x256xf32>
    tpu.vector_store %arg7[%swap3A, %swap3A_56], %add3A_55 {strides = array<i32>} : memref<8x256xf32, #tpu.memory_space<vmem>>, vector<8x256xf32>,
    %get3A_58 = arith.constant 0 : index
    %get3A_59 = arith.constant 0 : index
    %get3A_60 = vector.load %arg8[%get3A_58, %get3A_59] : memref<8x256xf32, #tpu.memory_space<vmem>>, vector<8x256xf32>
    %mul3A_61 = arith.mulf %dot_general3A_46, %dot_general3A_46 : vector<2048x256xf32>
    %reshape3A_62 = vector.shape_cast %mul3A_61 : vector<2048x256xf32> to vector<256x8x256xf32>
    %reduce_sum3A_63 = arith.constant dense<0.000000e+00> : vector<8x256xf32>
    %reduce_sum3A_64 = vector.multi_reduction <add>, %reshape3A_62, %reduce_sum3A_63 [0] : vector<256x8x256xf32> to vector<8x256xf32>
    %add3A_65 = arith.addf %get3A_60, %reduce_sum3A_64 : vector<8x256xf32>
    %swap3A_66 = arith.constant 0 : index
    %swap3A_67 = arith.constant 0 : index
    %swap3A_68 = vector.load %arg8[%swap3A_66, %swap3A_67] : memref<8x256xf32, #tpu.memory_space<vmem>>, vector<8x256xf32>
    tpu.vector_store %arg8[%swap3A_66, %swap3A_67], %add3A_65 {strides = array<i32>} : memref<8x256xf32, #tpu.memory_space<vmem>>, vector<8x256xf32>,
    return
  }
  func.func @transform_0(%arg0: i32) -> (i32, i32) {
    %c0_i32 = arith.constant 0 : i32
    %c0_i32_0 = arith.constant 0 : i32
    return %arg0, %c0_i32 : i32, i32
  }
  func.func @transform_1(%arg0: i32) -> (i32, i32) {
    %c0_i32 = arith.constant 0 : i32
    %c0_i32_0 = arith.constant 0 : i32
    %c0_i32_1 = arith.constant 0 : i32
    return %c0_i32, %c0_i32_0 : i32, i32
  }
  func.func @transform_2(%arg0: i32) -> (i32, i32) {
    %c0_i32 = arith.constant 0 : i32
    %c0_i32_0 = arith.constant 0 : i32
    %c0_i32_1 = arith.constant 0 : i32
    return %c0_i32, %c0_i32_0 : i32, i32
  }
  func.func @transform_3(%arg0: i32) -> (i32, i32) {
    %c0_i32 = arith.constant 0 : i32
    %c0_i32_0 = arith.constant 0 : i32
    %c0_i32_1 = arith.constant 0 : i32
    return %c0_i32, %c0_i32_0 : i32, i32
  }
  func.func @transform_4(%arg0: i32) -> (i32, i32) {
    %c0_i32 = arith.constant 0 : i32
    %c0_i32_0 = arith.constant 0 : i32
    %c0_i32_1 = arith.constant 0 : i32
    return %c0_i32, %c0_i32_0 : i32, i32
  }
  func.func @transform_5(%arg0: i32) -> (i32, i32) {
    %c0_i32 = arith.constant 0 : i32
    %c0_i32_0 = arith.constant 0 : i32
    %c0_i32_1 = arith.constant 0 : i32
    return %c0_i32, %c0_i32_0 : i32, i32
  }
  func.func @transform_6(%arg0: i32) -> (i32, i32) {
    %c0_i32 = arith.constant 0 : i32
    %c0_i32_0 = arith.constant 0 : i32
    %c0_i32_1 = arith.constant 0 : i32
    return %c0_i32, %c0_i32_0 : i32, i32
  }
  func.func @transform_7(%arg0: i32) -> (i32, i32) {
    %c0_i32 = arith.constant 0 : i32
    %c0_i32_0 = arith.constant 0 : i32
    %c0_i32_1 = arith.constant 0 : i32
    return %c0_i32, %c0_i32_0 : i32, i32
  }
}

module attributes {stable_mosaic.version = 14 : i64} {
  func.func @_final_kernel(%arg0: i32, %arg1: memref<2048x256xbf16, #tpu.memory_space<vmem>>, %arg2: memref<8x256xf32, #tpu.memory_space<vmem>>, %arg3: memref<8x256xf32, #tpu.memory_space<vmem>>, %arg4: memref<1x256xf32, #tpu.memory_space<vmem>>, %arg5: memref<1x256xf32, #tpu.memory_space<vmem>>, %arg6: memref<256x256xbf16, #tpu.memory_space<vmem>>, %arg7: memref<8x256xf32, #tpu.memory_space<vmem>>, %arg8: memref<8x256xf32, #tpu.memory_space<vmem>>, %arg9: memref<1x256xf32, #tpu.memory_space<vmem>>, %arg10: memref<1x256xf32, #tpu.memory_space<vmem>>, %arg11: memref<2048x256xf32, #tpu.memory_space<vmem>>) attributes {dimension_semantics = [#tpu.dimension_semantics<arbitrary>], iteration_bounds = array<i64: 32>, scalar_prefetch = 0 : i64, scratch_operands = 0 : i64, tpu.core_type = #tpu.core_type<tc>, window_params = [{transform_indices = @transform_0, window_bounds = array<i64: 2048, 256>}, {pipeline_mode = #tpu.pipeline_mode<synchronous>, transform_indices = @transform_1, window_bounds = array<i64: 8, 256>}, {pipeline_mode = #tpu.pipeline_mode<synchronous>, transform_indices = @transform_2, window_bounds = array<i64: 8, 256>}, {pipeline_mode = #tpu.pipeline_mode<synchronous>, transform_indices = @transform_3, window_bounds = array<i64: 1, 256>}, {pipeline_mode = #tpu.pipeline_mode<synchronous>, transform_indices = @transform_4, window_bounds = array<i64: 1, 256>}, {pipeline_mode = #tpu.pipeline_mode<synchronous>, transform_indices = @transform_5, window_bounds = array<i64: 256, 256>}, {pipeline_mode = #tpu.pipeline_mode<synchronous>, transform_indices = @transform_6, window_bounds = array<i64: 8, 256>}, {pipeline_mode = #tpu.pipeline_mode<synchronous>, transform_indices = @transform_7, window_bounds = array<i64: 8, 256>}, {pipeline_mode = #tpu.pipeline_mode<synchronous>, transform_indices = @transform_8, window_bounds = array<i64: 1, 256>}, {pipeline_mode = #tpu.pipeline_mode<synchronous>, transform_indices = @transform_9, window_bounds = array<i64: 1, 256>}, {transform_indices = @transform_10, window_bounds = array<i64: 2048, 256>}]} {
    %get3A = arith.constant 0 : index
    %get3A_0 = arith.constant 0 : index
    %get3A_1 = vector.load %arg2[%get3A, %get3A_0] : memref<8x256xf32, #tpu.memory_space<vmem>>, vector<8x256xf32>
    %reduce_sum3A = arith.constant dense<0.000000e+00> : vector<256xf32>
    %reduce_sum3A_2 = vector.multi_reduction <add>, %get3A_1, %reduce_sum3A [0] : vector<8x256xf32> to vector<256xf32>
    %broadcast_in_dim3A = vector.shape_cast %reduce_sum3A_2 : vector<256xf32> to vector<1x256xf32>
    %div3A = arith.constant 6.553600e+04 : f32
    %div3A_3 = vector.broadcast %div3A : f32 to vector<1x256xf32>
    %div3A_4 = arith.divf %broadcast_in_dim3A, %div3A_3 : vector<1x256xf32>
    %get3A_5 = arith.constant 0 : index
    %get3A_6 = arith.constant 0 : index
    %get3A_7 = vector.load %arg3[%get3A_5, %get3A_6] : memref<8x256xf32, #tpu.memory_space<vmem>>, vector<8x256xf32>
    %reduce_sum3A_8 = arith.constant dense<0.000000e+00> : vector<256xf32>
    %reduce_sum3A_9 = vector.multi_reduction <add>, %get3A_7, %reduce_sum3A_8 [0] : vector<8x256xf32> to vector<256xf32>
    %broadcast_in_dim3A_10 = vector.shape_cast %reduce_sum3A_9 : vector<256xf32> to vector<1x256xf32>
    %div3A_11 = arith.constant 6.553600e+04 : f32
    %div3A_12 = vector.broadcast %div3A_11 : f32 to vector<1x256xf32>
    %div3A_13 = arith.divf %broadcast_in_dim3A_10, %div3A_12 : vector<1x256xf32>
    %mul3A = arith.mulf %div3A_4, %div3A_4 : vector<1x256xf32>
    %sub3A = arith.subf %div3A_13, %mul3A : vector<1x256xf32>
    %get3A_14 = arith.constant 0 : index
    %get3A_15 = arith.constant 0 : index
    %get3A_16 = vector.load %arg4[%get3A_14, %get3A_15] : memref<1x256xf32, #tpu.memory_space<vmem>>, vector<1x256xf32>
    %add3A = arith.constant 9.99999974E-6 : f32
    %add3A_17 = vector.broadcast %add3A : f32 to vector<1x256xf32>
    %add3A_18 = arith.addf %sub3A, %add3A_17 : vector<1x256xf32>
    %rsqrt3A = math.rsqrt %add3A_18 : vector<1x256xf32>
    %mul3A_19 = arith.mulf %get3A_16, %rsqrt3A : vector<1x256xf32>
    %get3A_20 = arith.constant 0 : index
    %get3A_21 = arith.constant 0 : index
    %get3A_22 = vector.load %arg1[%get3A_20, %get3A_21] : memref<2048x256xbf16, #tpu.memory_space<vmem>>, vector<2048x256xbf16>
    %convert_element_type3A = arith.extf %get3A_22 : vector<2048x256xbf16> to vector<2048x256xf32>
    %sub3A_23 = vector.broadcast %div3A_4 : vector<1x256xf32> to vector<2048x256xf32>
    %sub3A_24 = arith.subf %convert_element_type3A, %sub3A_23 : vector<2048x256xf32>
    %mul3A_25 = vector.broadcast %mul3A_19 : vector<1x256xf32> to vector<2048x256xf32>
    %mul3A_26 = arith.mulf %sub3A_24, %mul3A_25 : vector<2048x256xf32>
    %get3A_27 = arith.constant 0 : index
    %get3A_28 = arith.constant 0 : index
    %get3A_29 = vector.load %arg5[%get3A_27, %get3A_28] : memref<1x256xf32, #tpu.memory_space<vmem>>, vector<1x256xf32>
    %add3A_30 = vector.broadcast %get3A_29 : vector<1x256xf32> to vector<2048x256xf32>
    %add3A_31 = arith.addf %mul3A_26, %add3A_30 : vector<2048x256xf32>
    %mul3A_32 = arith.constant 5.000000e-01 : f32
    %mul3A_33 = vector.broadcast %mul3A_32 : f32 to vector<2048x256xf32>
    %mul3A_34 = arith.mulf %mul3A_33, %add3A_31 : vector<2048x256xf32>
    %mul3A_35 = arith.constant 0.707106769 : f32
    %mul3A_36 = vector.broadcast %mul3A_35 : f32 to vector<2048x256xf32>
    %mul3A_37 = arith.mulf %add3A_31, %mul3A_36 : vector<2048x256xf32>
    %erf3A = math.erf %mul3A_37 : vector<2048x256xf32>
    %add3A_38 = arith.constant 1.000000e+00 : f32
    %add3A_39 = vector.broadcast %add3A_38 : f32 to vector<2048x256xf32>
    %add3A_40 = arith.addf %add3A_39, %erf3A : vector<2048x256xf32>
    %mul3A_41 = arith.mulf %mul3A_34, %add3A_40 : vector<2048x256xf32>
    %convert_element_type3A_42 = arith.truncf %mul3A_41 : vector<2048x256xf32> to vector<2048x256xbf16>
    %get3A_43 = arith.constant 0 : index
    %get3A_44 = arith.constant 0 : index
    %get3A_45 = vector.load %arg6[%get3A_43, %get3A_44] : memref<256x256xbf16, #tpu.memory_space<vmem>>, vector<256x256xbf16>
    %dot_general3A = arith.constant dense<0.000000e+00> : vector<2048x256xf32>
    %dot_general3A_46 = tpu.matmul %convert_element_type3A_42, %get3A_45, %dot_general3A {dimension_numbers = #tpu.dot_dimension_numbers<[1], [0], [0], [1], [0, 0, 1, 1], [], []>, transpose_lhs_hint = false} : vector<2048x256xbf16>, vector<256x256xbf16>, vector<2048x256xf32> -> vector<2048x256xf32>
    %get3A_47 = arith.constant 0 : index
    %get3A_48 = arith.constant 0 : index
    %get3A_49 = vector.load %arg7[%get3A_47, %get3A_48] : memref<8x256xf32, #tpu.memory_space<vmem>>, vector<8x256xf32>
    %reduce_sum3A_50 = arith.constant dense<0.000000e+00> : vector<256xf32>
    %reduce_sum3A_51 = vector.multi_reduction <add>, %get3A_49, %reduce_sum3A_50 [0] : vector<8x256xf32> to vector<256xf32>
    %broadcast_in_dim3A_52 = vector.shape_cast %reduce_sum3A_51 : vector<256xf32> to vector<1x256xf32>
    %div3A_53 = arith.constant 6.553600e+04 : f32
    %div3A_54 = vector.broadcast %div3A_53 : f32 to vector<1x256xf32>
    %div3A_55 = arith.divf %broadcast_in_dim3A_52, %div3A_54 : vector<1x256xf32>
    %get3A_56 = arith.constant 0 : index
    %get3A_57 = arith.constant 0 : index
    %get3A_58 = vector.load %arg8[%get3A_56, %get3A_57] : memref<8x256xf32, #tpu.memory_space<vmem>>, vector<8x256xf32>
    %reduce_sum3A_59 = arith.constant dense<0.000000e+00> : vector<256xf32>
    %reduce_sum3A_60 = vector.multi_reduction <add>, %get3A_58, %reduce_sum3A_59 [0] : vector<8x256xf32> to vector<256xf32>
    %broadcast_in_dim3A_61 = vector.shape_cast %reduce_sum3A_60 : vector<256xf32> to vector<1x256xf32>
    %div3A_62 = arith.constant 6.553600e+04 : f32
    %div3A_63 = vector.broadcast %div3A_62 : f32 to vector<1x256xf32>
    %div3A_64 = arith.divf %broadcast_in_dim3A_61, %div3A_63 : vector<1x256xf32>
    %mul3A_65 = arith.mulf %div3A_55, %div3A_55 : vector<1x256xf32>
    %sub3A_66 = arith.subf %div3A_64, %mul3A_65 : vector<1x256xf32>
    %get3A_67 = arith.constant 0 : index
    %get3A_68 = arith.constant 0 : index
    %get3A_69 = vector.load %arg9[%get3A_67, %get3A_68] : memref<1x256xf32, #tpu.memory_space<vmem>>, vector<1x256xf32>
    %add3A_70 = arith.constant 9.99999974E-6 : f32
    %add3A_71 = vector.broadcast %add3A_70 : f32 to vector<1x256xf32>
    %add3A_72 = arith.addf %sub3A_66, %add3A_71 : vector<1x256xf32>
    %rsqrt3A_73 = math.rsqrt %add3A_72 : vector<1x256xf32>
    %mul3A_74 = arith.mulf %get3A_69, %rsqrt3A_73 : vector<1x256xf32>
    %sub3A_75 = vector.broadcast %div3A_55 : vector<1x256xf32> to vector<2048x256xf32>
    %sub3A_76 = arith.subf %dot_general3A_46, %sub3A_75 : vector<2048x256xf32>
    %mul3A_77 = vector.broadcast %mul3A_74 : vector<1x256xf32> to vector<2048x256xf32>
    %mul3A_78 = arith.mulf %sub3A_76, %mul3A_77 : vector<2048x256xf32>
    %get3A_79 = arith.constant 0 : index
    %get3A_80 = arith.constant 0 : index
    %get3A_81 = vector.load %arg10[%get3A_79, %get3A_80] : memref<1x256xf32, #tpu.memory_space<vmem>>, vector<1x256xf32>
    %add3A_82 = vector.broadcast %get3A_81 : vector<1x256xf32> to vector<2048x256xf32>
    %add3A_83 = arith.addf %mul3A_78, %add3A_82 : vector<2048x256xf32>
    %mul3A_84 = arith.constant 5.000000e-01 : f32
    %mul3A_85 = vector.broadcast %mul3A_84 : f32 to vector<2048x256xf32>
    %mul3A_86 = arith.mulf %mul3A_85, %add3A_83 : vector<2048x256xf32>
    %mul3A_87 = arith.constant 0.707106769 : f32
    %mul3A_88 = vector.broadcast %mul3A_87 : f32 to vector<2048x256xf32>
    %mul3A_89 = arith.mulf %add3A_83, %mul3A_88 : vector<2048x256xf32>
    %erf3A_90 = math.erf %mul3A_89 : vector<2048x256xf32>
    %add3A_91 = arith.constant 1.000000e+00 : f32
    %add3A_92 = vector.broadcast %add3A_91 : f32 to vector<2048x256xf32>
    %add3A_93 = arith.addf %add3A_92, %erf3A_90 : vector<2048x256xf32>
    %mul3A_94 = arith.mulf %mul3A_86, %add3A_93 : vector<2048x256xf32>
    %swap3A = arith.constant 0 : index
    %swap3A_95 = arith.constant 0 : index
    %swap3A_96 = vector.load %arg11[%swap3A, %swap3A_95] : memref<2048x256xf32, #tpu.memory_space<vmem>>, vector<2048x256xf32>
    tpu.vector_store %arg11[%swap3A, %swap3A_95], %mul3A_94 {strides = array<i32>} : memref<2048x256xf32, #tpu.memory_space<vmem>>, vector<2048x256xf32>,
    return
  }
  func.func @transform_0(%arg0: i32) -> (i32, i32) {
    %c0_i32 = arith.constant 0 : i32
    %c0_i32_0 = arith.constant 0 : i32
    return %arg0, %c0_i32 : i32, i32
  }
  func.func @transform_1(%arg0: i32) -> (i32, i32) {
    %c0_i32 = arith.constant 0 : i32
    %c0_i32_0 = arith.constant 0 : i32
    %c0_i32_1 = arith.constant 0 : i32
    return %c0_i32, %c0_i32_0 : i32, i32
  }
  func.func @transform_2(%arg0: i32) -> (i32, i32) {
    %c0_i32 = arith.constant 0 : i32
    %c0_i32_0 = arith.constant 0 : i32
    %c0_i32_1 = arith.constant 0 : i32
    return %c0_i32, %c0_i32_0 : i32, i32
  }
  func.func @transform_3(%arg0: i32) -> (i32, i32) {
    %c0_i32 = arith.constant 0 : i32
    %c0_i32_0 = arith.constant 0 : i32
    %c0_i32_1 = arith.constant 0 : i32
    return %c0_i32, %c0_i32_0 : i32, i32
  }
  func.func @transform_4(%arg0: i32) -> (i32, i32) {
    %c0_i32 = arith.constant 0 : i32
    %c0_i32_0 = arith.constant 0 : i32
    %c0_i32_1 = arith.constant 0 : i32
    return %c0_i32, %c0_i32_0 : i32, i32
  }
  func.func @transform_5(%arg0: i32) -> (i32, i32) {
    %c0_i32 = arith.constant 0 : i32
    %c0_i32_0 = arith.constant 0 : i32
    %c0_i32_1 = arith.constant 0 : i32
    return %c0_i32, %c0_i32_0 : i32, i32
  }
  func.func @transform_6(%arg0: i32) -> (i32, i32) {
    %c0_i32 = arith.constant 0 : i32
    %c0_i32_0 = arith.constant 0 : i32
    %c0_i32_1 = arith.constant 0 : i32
    return %c0_i32, %c0_i32_0 : i32, i32
  }
  func.func @transform_7(%arg0: i32) -> (i32, i32) {
    %c0_i32 = arith.constant 0 : i32
    %c0_i32_0 = arith.constant 0 : i32
    %c0_i32_1 = arith.constant 0 : i32
    return %c0_i32, %c0_i32_0 : i32, i32
  }
  func.func @transform_8(%arg0: i32) -> (i32, i32) {
    %c0_i32 = arith.constant 0 : i32
    %c0_i32_0 = arith.constant 0 : i32
    %c0_i32_1 = arith.constant 0 : i32
    return %c0_i32, %c0_i32_0 : i32, i32
  }
  func.func @transform_9(%arg0: i32) -> (i32, i32) {
    %c0_i32 = arith.constant 0 : i32
    %c0_i32_0 = arith.constant 0 : i32
    %c0_i32_1 = arith.constant 0 : i32
    return %c0_i32, %c0_i32_0 : i32, i32
  }
  func.func @transform_10(%arg0: i32) -> (i32, i32) {
    %c0_i32 = arith.constant 0 : i32
    %c0_i32_0 = arith.constant 0 : i32
    return %arg0, %c0_i32 : i32, i32
  }
}

</mosaic_0001>

<sc_bundles>
// kernel: kernel.8.cloned.1.call-start
scs
__scs_entry_jumppad:
0x0: {  	(pc) =	sbr.rel $0x88, $3  }
0x1: {  	(tag) =	ssettag $0x0;
	lr =	simm.s32 $0x1  }
0x2: {  	[smem:$0x3F97] =	sst lr;
	_ =	strace $0xD0000000  }
0x3: {  	_ = 	snop  }
0x4: {  	_ = 	snop  }
0x5: {  	_ = 	snop  }
0x6: {  	_ = 	snop  }
0x7: {  	_ = 	snop  }
__scs_overlays_trampoline_lowered:
0x8: {  	[smem:$0x3FA6] =	sst s0  }
0x9: {  	[smem:$0x3FA7] =	sst s1  }
0xa: {  	[smem:$0x3FA8] =	sst s2  }
0xb: {  	[smem:$0x3FA9] =	sst s3  }
0xc: {  	[smem:$0x3FAA] =	sst s4  }
0xd: {  	[smem:$0x3FAB] =	sst s5  }
0xe: {  	[smem:$0x3FAC] =	sst s6  }
0xf: {  	[smem:$0x3FAD] =	sst s7  }
0x10: {  	[smem:$0x3FAE] =	sst s8  }
0x11: {  	[smem:$0x3FAF] =	sst s9;
	s0 =	simm.s32 @!p0 $0x0  }
0x12: {  	s1 =	sld [smem:$0x3F95];
	s0 =	simm.s32 @p0 $0x1  }
0x13: {  	[smem:$0x3FB0] =	sst s0;
	s0 =	simm.s32 @!p1 $0x0  }
0x14: {  	s2 =	sld [smem:$0x3F94];
	s0 =	simm.s32 @p1 $0x1  }
0x15: {  	[smem:$0x3FB1] =	sst s0;
	s0 =	simm.s32 @!p2 $0x0  }
0x16: {  	s3 =	sld [smem:$0x3FDB];
	s0 =	simm.s32 @p2 $0x1  }
0x17: {  	s4 =	simm.s32 $0x1BF5;
	[smem:$0x3FB3] =	sst s0  }
0x18: {  	s0 =	sld [smem:$0x3F96];
	_ =	swait.ge [sflag:s4], $0x0  }
0x19: {  	s7 =	sld [smem:$0x3F97]  }
0x1a: {  	s8 =	sadd.s32 $0xFFFFE003, lr  }
0x1b: {  	s9 =	sadd.s32 $0xFFFFFEF7, lr;
	s5 =	simm.s32 $0xFFFFFFFF;
	p2 =	slt.u32 s8, $0xFFFFF086  }
0x1c: {  	p1 =	slt.u32 s9, $0xF7A;
	s5 =	simm.s32 @!p2 $0x0  }
0x1d: {  	s5 =	simm.s32 @p1 $0x1;
	p0 =	seq.s32 s7, s2  }
0x1e: {  	s7 =	smul.u32 @!p0 $0xF7A, s2;
	p2 =	seq.s32 @!p0 s5, $0x0  }
0x1f: {  	s9 =	smul.u32 $0xF7A, s1;
	s8 =	simm.s32 @!p0 $0x1BF5;
	p2 =	por !p2, p0  }
0x20: {  	[sflag:s8] =	ssyncset.s32 @!p0 $0xFFFFF086;
	s6 =	sadd.s32 @!p0 s3, s7;
	s7 =	simm.s32 @!p0 $0x108  }
0x21: {  	s3 =	sadd.s32 s3, s9;
	s6 =	sadd.s32 @!p0 $0x88, s6;
	s7 =	simm.s32 @p2 $0x1082  }
0x22: {  	[simem:s7], [sflag:s8] =	dma.local @!p0 [hbm:s6], $0xF7A  }
0x23: {  	s9 =	sor.u32 $0xD0000000, s2;
	s6 =	simm.s32 $0x108;
	_ =	swait.ge @!p0 [sflag:s8], $0x0  }
0x24: {  	s3 =	sadd.s32 $0x88, s3;
	s6 =	simm.s32 @!p1 $0x1082;
	[sflag:s4] =	ssyncset.s32 $0xFFFFF086  }
0x25: {  	[simem:s6], [sflag:s4] =	dma.local [hbm:s3], $0xF7A  }
0x26: {  	[smem:$0x3F97] =	sst s1;
	(tag) =	ssettag s2;
	_ =	strace s9  }
0x27: {  	s1 =	sld [smem:$0x3FA7]  }
0x28: {  	s2 =	sld [smem:$0x3FA8]  }
0x29: {  	s4 =	sld [smem:$0x3FAA]  }
0x2a: {  	p0 =	seq.s32 s5, $0x0;
	s5 =	sld [smem:$0x3FAB]  }
0x2b: {  	s6 =	sld [smem:$0x3FAC]  }
0x2c: {  	s7 =	sld [smem:$0x3FAD]  }
0x2d: {  	s3 =	simm.s32 $0x108;
	s8 =	sld [smem:$0x3FAE]  }
0x2e: {  	s3 =	simm.s32 @!p0 $0x1082;
	s9 =	sld [smem:$0x3FAF]  }
0x2f: {  	lr =	sadd.s32 s0, s3;
	s0 =	sld [smem:$0x3FA6]  }
0x30: {  	s3 =	sld [smem:$0x3FA9]  }
0x31: {  	[smem:$0x3FB2] =	sst s10  }
0x32: {  	s10 =	sld [smem:$0x3FB0];
	_ =	sdelay $0x3  }
0x33: {  	p0 =	seq.s32 s10, $0x1;
	s10 =	sld [smem:$0x3FB2];
	_ =	sdelay $0x3  }
0x34: {  	[smem:$0x3FB2] =	sst s10  }
0x35: {  	s10 =	sld [smem:$0x3FB1];
	_ =	sdelay $0x3  }
0x36: {  	p1 =	seq.s32 s10, $0x1;
	s10 =	sld [smem:$0x3FB2];
	_ =	sdelay $0x3  }
0x37: {  	[smem:$0x3FB2] =	sst s10  }
0x38: {  	s10 =	sld [smem:$0x3FB3]  }
0x39: {  	_ = 	snop;
	(pc) =	sbr.ind lr, $3  }
0x3a: {  	_ = 	snop  }
0x3b: {  	_ = 	snop  }
0x3c: {  	p2 =	seq.s32 s10, $0x1;
	s10 =	sld [smem:$0x3FB2]  }
0x3d: {  	_ =	shalt  }
0x3e: {  	_ =	shalt  }
0x3f: {  	_ =	shalt  }
0x40: {  	_ =	shalt  }
0x41: {  	_ =	shalt  }
0x42: {  	_ =	shalt  }
0x43: {  	_ =	shalt  }
0x44: {  	_ =	shalt  }
0x45: {  	_ =	shalt  }
0x46: {  	_ =	shalt  }
0x47: {  	_ =	shalt  }
0x48: {  	_ =	shalt  }
0x49: {  	_ =	shalt  }
0x4a: {  	_ =	shalt  }
0x4b: {  	_ =	shalt  }
0x4c: {  	_ =	shalt  }
0x4d: {  	_ =	shalt  }
0x4e: {  	_ =	shalt  }
0x4f: {  	_ =	shalt  }
0x50: {  	_ =	shalt  }
0x51: {  	_ =	shalt  }
0x52: {  	_ =	shalt  }
0x53: {  	_ =	shalt  }
0x54: {  	_ =	shalt  }
0x55: {  	_ =	shalt  }
0x56: {  	_ =	shalt  }
0x57: {  	_ =	shalt  }
0x58: {  	_ =	shalt  }
0x59: {  	_ =	shalt  }
0x5a: {  	_ =	shalt  }
0x5b: {  	_ =	shalt  }
0x5c: {  	_ =	shalt  }
0x5d: {  	_ =	shalt  }
0x5e: {  	_ =	shalt  }
0x5f: {  	_ =	shalt  }
0x60: {  	_ =	shalt  }
0x61: {  	_ =	shalt  }
0x62: {  	_ =	shalt  }
0x63: {  	_ =	shalt  }
0x64: {  	_ =	shalt  }
0x65: {  	_ =	shalt  }
0x66: {  	_ =	shalt  }
0x67: {  	_ =	shalt  }
0x68: {  	_ =	shalt  }
0x69: {  	_ =	shalt  }
0x6a: {  	_ =	shalt  }
0x6b: {  	_ =	shalt  }
0x6c: {  	_ =	shalt  }
0x6d: {  	_ =	shalt  }
0x6e: {  	_ =	shalt  }
0x6f: {  	_ =	shalt  }
0x70: {  	_ =	shalt  }
0x71: {  	_ =	shalt  }
0x72: {  	_ =	shalt  }
0x73: {  	_ =	shalt  }
0x74: {  	_ =	shalt  }
0x75: {  	_ =	shalt  }
0x76: {  	_ =	shalt  }
0x77: {  	_ =	shalt  }
0x78: {  	_ =	shalt  }
0x79: {  	_ =	shalt  }
0x7a: {  	_ =	shalt  }
0x7b: {  	_ =	shalt  }
0x7c: {  	_ =	shalt  }
0x7d: {  	_ =	shalt  }
0x7e: {  	_ =	shalt  }
0x7f: {  	_ =	shalt  }
0x80: {  	_ =	shalt  }
0x81: {  	_ =	shalt  }
0x82: {  	_ =	shalt  }
0x83: {  	_ =	shalt  }
0x84: {  	_ =	shalt  }
0x85: {  	_ =	shalt  }
0x86: {  	_ =	shalt  }
0x87: {  	_ =	shalt  }
.Lfunc_end0:
.L_simem_size_0:
called_computation_lowered:
.L_overlay_start_0:
0x88: {  	s2 =	sld [smem:$0x3FD9]  }
0x89: {  	s3 =	sld [smem:$0x3FFE];
	_ =	sdelay $0x1  }
0x8a: {  	s1 =	srdreg.scid  }
0x8b: {  	s0 =	sand.u32 $0x1, s1  }
0x8c: {  	s17 =	sshll.u32 s0, $0xA;
	s2 =	sadd.s32 s3, s2  }
0x8d: {  	s2 =	sadd.s32 s2, s17  }
0x8e: {  	[smem:$0x3FBE] =	sst s2  }
0x8f: {  	_ = 	snop  }
0x90: {  	s2 =	sld [smem:$0x3FD0];
	(tm) =	ssettm $0x1  }
0x91: {  	s18 =	sld [smem:$0x3FFB];
	_ =	sdelay $0x3  }
0x92: {  	_ =	strace s18  }
0x93: {  	s3 =	sld [smem:$0x3FFC];
	_ =	sdelay $0x3  }
0x94: {  	_ =	strace s3  }
0x95: {  	s3 =	sld [smem:$0x3FFD];
	_ =	sdelay $0x3  }
0x96: {  	_ =	strace s3  }
0x97: {  	_ =	strace $0x8FFFFFFF  }
0x98: {  	s19 =	sld [smem:$0x3FDB];
	_ =	sdelay $0x1  }
0x99: {  	s4 =	simm.s32 $_scs_section_size  }
0x9a: {  	s5 =	simm.s32 $_size__tile_overlayer_lowered;
	s6 =	simm.s32 $_tile_overlayer_lowered  }
0x9b: {  	s22 =	simm.s32 $0x1BFF;
	s21 =	sshll.u32 s6, $0x1;
	s3 =	sadd.s32 s4, s19  }
0x9c: {  	s7 =	simm.s32 $0x0;
	s20 =	sshll.u32 s5, $0x1;
	s5 =	sadd.s32 s21, s3  }
0x9d: {  	[timem:s7], [sflag:s22] =	dma.local [hbm:s5], s20  }
0x9e: {  	_ =	swait.ge [sflag:s22], s20  }
0x9f: {  	s4 =	ssub.s32 $0x0, s20;
	[sflag:s22] =	ssyncset.done $0x0  }
0xa0: {  	[sflag:s22] =	ssyncadd.s32 s4;
	_ =	sdelay $0x1  }
0xa1: {  	s23 =	simm.s32 $0x1B8B  }
0xa2: {  	_ =	swait.ge [sflag:s23], $0x1  }
0xa3: {  	[sflag:s23] =	ssyncset.done $0x0  }
0xa4: {  	s25 =	simm.s32 $0x1B8E;
	s24 =	sld [smem:$0x3FFE];
	[sflag:s23] =	ssyncadd.s32 $0xFFFFFFFF  }
0xa5: {  	s26 =	simm.s32 $execute0_lowered;
	[smem:$0x3FD2] =	sst s25  }
0xa6: {  	s5 =	sshll.u32 s26, $0x1;
	_ =	strace $0x80000046;
	[dreg:$0x1] =	wrdreg $0xFFFFFFFF  }
0xa7: {  	s28 =	simm.s32 $_size_execute0_lowered;
	s3 =	sadd.s32 s3, s5;
	[dreg:$0x0] =	wrdreg $0x0  }
0xa8: {  	s5 =	sshll.u32 s28, $0x1;
	[dreg:$0x2] =	wrdreg s3  }
0xa9: {  	[dreg:$0x3] =	wrdreg s5  }
0xaa: {  	[dreg:$0x4] =	wrdreg $0xC0  }
0xab: {  	_ =	task [dreg:s7], $0x5FFFF  }
0xac: {  	[dreg:$0x1] =	wrdreg $0xFFFFFFFF  }
0xad: {  	[dreg:$0x0] =	wrdreg $0x60  }
0xae: {  	[dreg:$0x2] =	wrdreg s24  }
0xaf: {  	[dreg:$0x3] =	wrdreg s2  }
0xb0: {  	[dreg:$0x4] =	wrdreg $0x9  }
0xb1: {  	_ =	task.clear_ibuf [dreg:s7], $0x5FFFF;
	_ =	strace $0x90000046  }
0xb2: {  	s29 =	simm.s32 $0x9;
	_ =	strace $0x80000048  }
0xb3: {  	_ =	swait.ge [sflag:s29], $0x1  }
0xb4: {  	[sflag:s29] =	ssyncadd.s32 $0xFFFFFFFF  }
0xb5: {  	_ =	strace $0x90000048  }
0xb6: {  	_ =	sfence  }
0xb7: {  	s30 =	sld [smem:$0x0];
	_ =	sdelay $0x2  }
0xb8: {  	s31 =	sshll.u32 s1, $0xD;
	s1 =	sshrl.u32 s1, $0x2  }
0xb9: {  	s3 =	sand.u32 $0x4000, s31;
	s1 =	sadd.s32 s1, s30  }
0xba: {  	s0 =	sor.u32 s3, s0;
	s1 =	sshll.u32 s1, $0x11  }
0xbb: {  	s0 =	sor.u32 s1, s0  }
0xbc: {  	s0 =	sadd.s32 $0x8F2B, s0  }
0xbd: {  	[sflag:s0] =	ssyncadd.remote.s32 $0x1  }
0xbe: {  	_ =	sfence.sel $0xFFFF  }
0xbf: {  	[dreg:$0x0] =	wrdreg $0xFFFFFFFF;
	(pc) =	sbr.abs _section_cstart, $3  }
0xc0: {  	[dreg:$0x1] =	wrdreg $0xFFFFFFFF  }
0xc1: {  	_ =	task.clear_ibuf [dreg:s7], $0x2FFFF;
	_ =	strace $0x9FFFFFFF  }
0xc2: {  	(tm) =	ssettm $0x7FFFFFFF  }
0xc3: {  	_ =	shalt  }
tec
execute0_lowered:
.L_overlay_start_1:
0x0: {  	(tag) =	ssettag $0x1  }
0x1: {  	s0 =	rddreg [dreg:$0x0];
	s1 =	srdreg.scid  }
0x2: {  	s3 =	stileid.u32;
	s2 =	rddreg [dreg:$0x1]  }
0x3: {  	s8 =	simm.s32 $0x1880;
	s22 =	simm.s32 $0x9900;
	s23 =	simm.s32 $0xA100  }
0x4: {  	s28 =	simm.s32 $0xC100;
	s29 =	simm.s32 $0xC900;
	s30 =	simm.s32 $0xD100  }
0x5: {  	s31 =	simm.s32 $0xD900;
	s1 =	sand.u32 $0x1, s1;
	s4 =	sshll.u32 s3, $0x1  }
0x6: {  	s7 =	simm.s32 $0x2;
	s3 =	simm.s32 $0x0;
	s4 =	sor.u32 s1, s4  }
0x7: {  	[smem:$0x7FF] =	sst s3;
	s1 =	ssub.s32 $0x2, s1;
	s5 =	smul.u32 $0x300, s4  }
0x8: {  	s10 =	simm.s32 $0x0;
	_ =	strace $0x80000047;
	s6 =	sshrl.u32 s1, $0x1  }
0x9: {  	s4 =	sshll.u32 s4, $0x10;
	s1 =	ssub.s32 s1, s6;
	s5 =	sadd.s32 s5, s0  }
0xa: {  	s0 =	sadd.s32 s4, s0;
	s26 =	smax.u32 s1, $0x1;
	s1 =	simm.s32 $0xE100  }
0xb: {  	s4 =	simm.s32 $0x1;
	s24 =	sadd.s32 $0x201A00, s5;
	s25 =	sadd.s32 $0x1A00, s5  }
0xc: {  	v2 =	vlaneseq.u32;
	s6 =	sadd.s32 $0x207A00, s0;
	[dreg:$0x5] =	wrdreg s26;
	s26 =	simm.s32 $0xB900  }
0xd: {  	vm0 =	vmmov $0xffff;
	v1 =	vshrl.u32 v2, $0x3;
	s0 =	simm.s32 $0xE900;
	s5 =	simm.s32 $0xF100;
	[dreg:$0x3] =	wrdreg s24  }
0xe: {  	v0 =	vand.u32 $0x7, v2;
	v2 =	vor.u32 $0x8, v2;
	v1 =	vmul.u32 $0x8, v1;
	[dreg:$0x4] =	wrdreg s25;
	s24 =	simm.s32 $0xA900;
	s25 =	simm.s32 $0xB100  }
.LBB2_1:
0xf: {  	[dreg:$0x6] =	wrdreg s10  }
0x10: {  	s9 =	rddreg [dreg:$0x3]  }
0x11: {  	[tilespmem:s3], [sflag:$0x2] =	stream.linear.gather [hbm4b:s9+s3], $0x1800, $0x38;
	[tilespmem:$0x13100] =	vst v63  }
0x12: {  	_ =	swait.ge [sflag:s7], $0x1800  }
0x13: {  	[sflag:s7] =	ssyncset.done $0x0  }
0x14: {  	s21 =	rddreg [dreg:$0x4];
	[sflag:s7] =	ssyncadd.s32 $0xFFFFE800  }
0x15: {  	[tilespmem:s8], [sflag:$0x2] =	stream.linear.gather [hbm4b:s21+s3], $0x1800, $0x38;
	[tilespmem:$0x13100] =	vst v63  }
0x16: {  	_ =	swait.ge [sflag:s7], $0x1800  }
0x17: {  	[sflag:s7] =	ssyncset.done $0x0  }
0x18: {  	s18 =	simm.s32 $0x2;
	s10 =	simm.s32 $0x0;
	[sflag:s7] =	ssyncadd.s32 $0xFFFFE800  }
.LBB2_2:
0x19: {  	s9 =	smul.u32 $0xC0, s10;
	_ =	sdelay $0x1  }
0x1a: {  	v3 =	vld [tilespmem:s9+$0x0];
	_ =	sdelay $0x4  }
0x1b: {  	v4 =	vshll.u32 v3, $0x1  }
0x1c: {  	v3 =	vand.u32 $0x7, v3;
	v4 =	vand.u32 $0xFFFFFFF0, v4  }
0x1d: {  	v3 =	vor.u32 v3, v4  }
0x1e: {  	v4 =	vperm.xlane v3, v0;
	_ =	sdelay $0x1  }
0x1f: {  	v3 =	vperm.xlane v3, v2;
	v4 =	vadd.s32 v1, v4;
	_ =	sdelay $0x1  }
0x20: {  	v3 =	vadd.s32 v1, v3;
	_ =	sdelay $0x1  }
0x21: {  	s11 =	simm.s32 $0x0;
	s12 =	simm.s32 $0x3100  }
0x22: {  	[tilespmem:s12], [sflag:$0x1] =	stream.indirect_vreg.gather [hbm4b:s2+s11], $0x80, v4, vm0, $0xb8;
	[tilespmem:$0x13100] =	vst v63  }
0x23: {  	s19 =	simm.s32 $0x3900  }
0x24: {  	[tilespmem:s19], [sflag:$0x1] =	stream.indirect_vreg.gather [hbm4b:s2+s11], $0x80, v3, vm0, $0xb8;
	[tilespmem:$0x13100] =	vst v63  }
0x25: {  	v3 =	vld [tilespmem:s9+$0x10];
	_ =	sdelay $0x4  }
0x26: {  	v4 =	vshll.u32 v3, $0x1  }
0x27: {  	v3 =	vand.u32 $0x7, v3;
	v4 =	vand.u32 $0xFFFFFFF0, v4  }
0x28: {  	v3 =	vor.u32 v3, v4  }
0x29: {  	v4 =	vperm.xlane v3, v0;
	_ =	sdelay $0x1  }
0x2a: {  	v3 =	vperm.xlane v3, v2;
	v4 =	vadd.s32 v1, v4;
	_ =	sdelay $0x1  }
0x2b: {  	v3 =	vadd.s32 v1, v3;
	_ =	sdelay $0x1  }
0x2c: {  	s20 =	simm.s32 $0x4100  }
0x2d: {  	[tilespmem:s20], [sflag:$0x1] =	stream.indirect_vreg.gather [hbm4b:s2+s11], $0x80, v4, vm0, $0xb8;
	[tilespmem:$0x13100] =	vst v63  }
0x2e: {  	s21 =	simm.s32 $0x4900  }
0x2f: {  	[tilespmem:s21], [sflag:$0x1] =	stream.indirect_vreg.gather [hbm4b:s2+s11], $0x80, v3, vm0, $0xb8;
	[tilespmem:$0x13100] =	vst v63  }
0x30: {  	v3 =	vld [tilespmem:s9+$0x20];
	_ =	sdelay $0x4  }
0x31: {  	v4 =	vshll.u32 v3, $0x1  }
0x32: {  	v3 =	vand.u32 $0x7, v3;
	v4 =	vand.u32 $0xFFFFFFF0, v4  }
0x33: {  	v3 =	vor.u32 v3, v4  }
0x34: {  	v4 =	vperm.xlane v3, v0;
	_ =	sdelay $0x1  }
0x35: {  	v3 =	vperm.xlane v3, v2;
	v4 =	vadd.s32 v1, v4;
	_ =	sdelay $0x1  }
0x36: {  	v3 =	vadd.s32 v1, v3;
	_ =	sdelay $0x1  }
0x37: {  	s13 =	simm.s32 $0x5100  }
0x38: {  	[tilespmem:s13], [sflag:$0x1] =	stream.indirect_vreg.gather [hbm4b:s2+s11], $0x80, v4, vm0, $0xb8;
	[tilespmem:$0x13100] =	vst v63  }
0x39: {  	s14 =	simm.s32 $0x5900  }
0x3a: {  	[tilespmem:s14], [sflag:$0x1] =	stream.indirect_vreg.gather [hbm4b:s2+s11], $0x80, v3, vm0, $0xb8;
	[tilespmem:$0x13100] =	vst v63  }
0x3b: {  	v3 =	vld [tilespmem:s9+$0x30];
	_ =	sdelay $0x4  }
0x3c: {  	v4 =	vshll.u32 v3, $0x1  }
0x3d: {  	v3 =	vand.u32 $0x7, v3;
	v4 =	vand.u32 $0xFFFFFFF0, v4  }
0x3e: {  	v3 =	vor.u32 v3, v4  }
0x3f: {  	v4 =	vperm.xlane v3, v0;
	_ =	sdelay $0x1  }
0x40: {  	v3 =	vperm.xlane v3, v2;
	v4 =	vadd.s32 v1, v4;
	_ =	sdelay $0x1  }
0x41: {  	v3 =	vadd.s32 v1, v3;
	_ =	sdelay $0x1  }
0x42: {  	s15 =	simm.s32 $0x6100  }
0x43: {  	[tilespmem:s15], [sflag:$0x1] =	stream.indirect_vreg.gather [hbm4b:s2+s11], $0x80, v4, vm0, $0xb8;
	[tilespmem:$0x13100] =	vst v63  }
0x44: {  	s16 =	simm.s32 $0x6900  }
0x45: {  	[tilespmem:s16], [sflag:$0x1] =	stream.indirect_vreg.gather [hbm4b:s2+s11], $0x80, v3, vm0, $0xb8;
	[tilespmem:$0x13100] =	vst v63  }
0x46: {  	v3 =	vld [tilespmem:s9+$0x40];
	_ =	sdelay $0x4  }
0x47: {  	v4 =	vshll.u32 v3, $0x1  }
0x48: {  	v3 =	vand.u32 $0x7, v3;
	v4 =	vand.u32 $0xFFFFFFF0, v4  }
0x49: {  	v3 =	vor.u32 v3, v4  }
0x4a: {  	v4 =	vperm.xlane v3, v0;
	_ =	sdelay $0x1  }
0x4b: {  	v3 =	vperm.xlane v3, v2;
	v4 =	vadd.s32 v1, v4;
	_ =	sdelay $0x1  }
0x4c: {  	v3 =	vadd.s32 v1, v3;
	_ =	sdelay $0x1  }
0x4d: {  	s17 =	simm.s32 $0x7100  }
0x4e: {  	[tilespmem:s17], [sflag:$0x1] =	stream.indirect_vreg.gather [hbm4b:s2+s11], $0x80, v4, vm0, $0xb8;
	[tilespmem:$0x13100] =	vst v63  }
0x4f: {  	s19 =	simm.s32 $0x7900  }
0x50: {  	[tilespmem:s19], [sflag:$0x1] =	stream.indirect_vreg.gather [hbm4b:s2+s11], $0x80, v3, vm0, $0xb8;
	[tilespmem:$0x13100] =	vst v63  }
0x51: {  	v3 =	vld [tilespmem:s9+$0x50];
	_ =	sdelay $0x4  }
0x52: {  	v4 =	vshll.u32 v3, $0x1  }
0x53: {  	v3 =	vand.u32 $0x7, v3;
	v4 =	vand.u32 $0xFFFFFFF0, v4  }
0x54: {  	v3 =	vor.u32 v3, v4  }
0x55: {  	v4 =	vperm.xlane v3, v0;
	_ =	sdelay $0x1  }
0x56: {  	v3 =	vperm.xlane v3, v2;
	v4 =	vadd.s32 v1, v4;
	_ =	sdelay $0x1  }
0x57: {  	v3 =	vadd.s32 v1, v3;
	_ =	sdelay $0x1  }
0x58: {  	s20 =	simm.s32 $0x8100  }
0x59: {  	[tilespmem:s20], [sflag:$0x1] =	stream.indirect_vreg.gather [hbm4b:s2+s11], $0x80, v4, vm0, $0xb8;
	[tilespmem:$0x13100] =	vst v63  }
0x5a: {  	s21 =	simm.s32 $0x8900  }
0x5b: {  	[tilespmem:s21], [sflag:$0x1] =	stream.indirect_vreg.gather [hbm4b:s2+s11], $0x80, v3, vm0, $0xb8;
	[tilespmem:$0x13100] =	vst v63  }
0x5c: {  	v3 =	vld [tilespmem:s9+$0x60];
	_ =	sdelay $0x4  }
0x5d: {  	v4 =	vshll.u32 v3, $0x1  }
0x5e: {  	v3 =	vand.u32 $0x7, v3;
	v4 =	vand.u32 $0xFFFFFFF0, v4  }
0x5f: {  	v3 =	vor.u32 v3, v4  }
0x60: {  	v4 =	vperm.xlane v3, v0;
	_ =	sdelay $0x1  }
0x61: {  	v3 =	vperm.xlane v3, v2;
	v4 =	vadd.s32 v1, v4;
	_ =	sdelay $0x1  }
0x62: {  	v3 =	vadd.s32 v1, v3;
	_ =	sdelay $0x1  }
0x63: {  	s13 =	simm.s32 $0x9100  }
0x64: {  	[tilespmem:s13], [sflag:$0x1] =	stream.indirect_vreg.gather [hbm4b:s2+s11], $0x80, v4, vm0, $0xb8;
	[tilespmem:$0x13100] =	vst v63  }
0x65: {  	_ = 	snop  }
0x66: {  	[tilespmem:s22], [sflag:$0x1] =	stream.indirect_vreg.gather [hbm4b:s2+s11], $0x80, v3, vm0, $0xb8;
	[tilespmem:$0x13100] =	vst v63  }
0x67: {  	v3 =	vld [tilespmem:s9+$0x70];
	_ =	sdelay $0x4  }
0x68: {  	v4 =	vshll.u32 v3, $0x1  }
0x69: {  	v3 =	vand.u32 $0x7, v3;
	v4 =	vand.u32 $0xFFFFFFF0, v4  }
0x6a: {  	v3 =	vor.u32 v3, v4  }
0x6b: {  	v4 =	vperm.xlane v3, v0;
	_ =	sdelay $0x1  }
0x6c: {  	v3 =	vperm.xlane v3, v2;
	v4 =	vadd.s32 v1, v4;
	_ =	sdelay $0x1  }
0x6d: {  	v3 =	vadd.s32 v1, v3;
	_ =	sdelay $0x2  }
0x6e: {  	[tilespmem:s23], [sflag:$0x1] =	stream.indirect_vreg.gather [hbm4b:s2+s11], $0x80, v4, vm0, $0xb8;
	[tilespmem:$0x13100] =	vst v63  }
0x6f: {  	_ = 	snop  }
0x70: {  	[tilespmem:s24], [sflag:$0x1] =	stream.indirect_vreg.gather [hbm4b:s2+s11], $0x80, v3, vm0, $0xb8;
	[tilespmem:$0x13100] =	vst v63  }
0x71: {  	v3 =	vld [tilespmem:s9+$0x80];
	_ =	sdelay $0x4  }
0x72: {  	v4 =	vshll.u32 v3, $0x1  }
0x73: {  	v3 =	vand.u32 $0x7, v3;
	v4 =	vand.u32 $0xFFFFFFF0, v4  }
0x74: {  	v3 =	vor.u32 v3, v4  }
0x75: {  	v4 =	vperm.xlane v3, v0;
	_ =	sdelay $0x1  }
0x76: {  	v3 =	vperm.xlane v3, v2;
	v4 =	vadd.s32 v1, v4;
	_ =	sdelay $0x1  }
0x77: {  	v3 =	vadd.s32 v1, v3;
	_ =	sdelay $0x2  }
0x78: {  	[tilespmem:s25], [sflag:$0x1] =	stream.indirect_vreg.gather [hbm4b:s2+s11], $0x80, v4, vm0, $0xb8;
	[tilespmem:$0x13100] =	vst v63  }
0x79: {  	_ = 	snop  }
0x7a: {  	[tilespmem:s26], [sflag:$0x1] =	stream.indirect_vreg.gather [hbm4b:s2+s11], $0x80, v3, vm0, $0xb8;
	[tilespmem:$0x13100] =	vst v63  }
0x7b: {  	v3 =	vld [tilespmem:s9+$0x90];
	_ =	sdelay $0x4  }
0x7c: {  	v4 =	vshll.u32 v3, $0x1  }
0x7d: {  	v3 =	vand.u32 $0x7, v3;
	v4 =	vand.u32 $0xFFFFFFF0, v4  }
0x7e: {  	v3 =	vor.u32 v3, v4  }
0x7f: {  	v4 =	vperm.xlane v3, v0;
	_ =	sdelay $0x1  }
0x80: {  	v3 =	vperm.xlane v3, v2;
	v4 =	vadd.s32 v1, v4;
	_ =	sdelay $0x1  }
0x81: {  	v3 =	vadd.s32 v1, v3;
	_ =	sdelay $0x2  }
0x82: {  	[tilespmem:s28], [sflag:$0x1] =	stream.indirect_vreg.gather [hbm4b:s2+s11], $0x80, v4, vm0, $0xb8;
	[tilespmem:$0x13100] =	vst v63  }
0x83: {  	_ = 	snop  }
0x84: {  	[tilespmem:s29], [sflag:$0x1] =	stream.indirect_vreg.gather [hbm4b:s2+s11], $0x80, v3, vm0, $0xb8;
	[tilespmem:$0x13100] =	vst v63  }
0x85: {  	v3 =	vld [tilespmem:s9+$0xA0];
	_ =	sdelay $0x4  }
0x86: {  	v4 =	vshll.u32 v3, $0x1  }
0x87: {  	v3 =	vand.u32 $0x7, v3;
	v4 =	vand.u32 $0xFFFFFFF0, v4  }
0x88: {  	v3 =	vor.u32 v3, v4  }
0x89: {  	v4 =	vperm.xlane v3, v0;
	_ =	sdelay $0x1  }
0x8a: {  	v3 =	vperm.xlane v3, v2;
	v4 =	vadd.s32 v1, v4;
	_ =	sdelay $0x1  }
0x8b: {  	v3 =	vadd.s32 v1, v3;
	_ =	sdelay $0x2  }
0x8c: {  	[tilespmem:s30], [sflag:$0x1] =	stream.indirect_vreg.gather [hbm4b:s2+s11], $0x80, v4, vm0, $0xb8;
	[tilespmem:$0x13100] =	vst v63  }
0x8d: {  	_ = 	snop  }
0x8e: {  	[tilespmem:s31], [sflag:$0x1] =	stream.indirect_vreg.gather [hbm4b:s2+s11], $0x80, v3, vm0, $0xb8;
	[tilespmem:$0x13100] =	vst v63  }
0x8f: {  	v3 =	vld [tilespmem:s9+$0xB0];
	_ =	sdelay $0x4  }
0x90: {  	v4 =	vshll.u32 v3, $0x1  }
0x91: {  	v3 =	vand.u32 $0x7, v3;
	v4 =	vand.u32 $0xFFFFFFF0, v4  }
0x92: {  	v3 =	vor.u32 v3, v4  }
0x93: {  	v4 =	vperm.xlane v3, v0;
	_ =	sdelay $0x1  }
0x94: {  	v3 =	vperm.xlane v3, v2;
	v4 =	vadd.s32 v1, v4;
	_ =	sdelay $0x1  }
0x95: {  	v3 =	vadd.s32 v1, v3;
	_ =	sdelay $0x2  }
0x96: {  	[tilespmem:s1], [sflag:$0x1] =	stream.indirect_vreg.gather [hbm4b:s2+s11], $0x80, v4, vm0, $0xb8;
	[tilespmem:$0x13100] =	vst v63  }
0x97: {  	s14 =	sadd.s32 $0xFFFFFFFE, s18;
	s15 =	sadd.s32 $0xFFFFFFFF, s18  }
0x98: {  	v4 =	vmov s15;
	[tilespmem:s0], [sflag:$0x1] =	stream.indirect_vreg.gather [hbm4b:s2+s11], $0x80, v3, vm0, $0xb8;
	[tilespmem:$0x13100] =	vst v63  }
0x99: {  	s16 =	sand.u32 $0xF800, s11;
	s17 =	sand.u32 $0x380, s11;
	_ =	swait.ge [sflag:s4], $0xC000  }
0x9a: {  	s12 =	sor.u32 s17, s16;
	v3 =	vmov s14;
	[sflag:s4] =	ssyncset.done $0x0  }
0x9b: {  	v5 =	vmov s18;
	s19 =	simm.s32 $0x100;
	s13 =	simm.s32 $0x80;
	[sflag:s4] =	ssyncadd.s32 $0xFFFF4000  }
0x9c: {  	s13 =	sand.u32 $0x380, s13;
	s9 =	sand.u32 $0x1F800, s19;
	v6 =	vld [tilespmem:s12+$0x3100]  }
0x9d: {  	s14 =	sor.u32 s13, s9;
	v4 =	vld.idx.msk [tilespmem:v4+s8+$0x0], $0xffff  }
0x9e: {  	s20 =	simm.s32 $0x200;
	s21 =	simm.s32 $0x100;
	v7 =	vld [tilespmem:s14+$0x3100]  }
0x9f: {  	s9 =	sand.u32 $0x1F800, s20;
	s13 =	sand.u32 $0x380, s21;
	v3 =	vld.idx.msk [tilespmem:v3+s8+$0x0], $0xffff  }
0xa0: {  	s15 =	sor.u32 s13, s9;
	v5 =	vld.idx.msk [tilespmem:v5+s8+$0x0], $0xffff  }
0xa1: {  	v8 =	vld [tilespmem:s15+$0x3100];
	_ =	sdelay $0x2  }
0xa2: {  	v7 =	vmul.f32 v7, v4;
	v6 =	vmul.f32 v6, v3;
	_ =	sdelay $0x1  }
0xa3: {  	v6 =	vadd.f32 v7, v6;
	v7 =	vmul.f32 v8, v5;
	_ =	sdelay $0x1  }
0xa4: {  	v6 =	vadd.f32 v7, v6  }
0xa5: {  	s13 =	simm.s32 $0xF180  }
0xa6: {  	[tilespmem:s13+$0xFFFFFF80] =	vst v6  }
0xa7: {  	v6 =	vld [tilespmem:s14+$0x3110]  }
0xa8: {  	v7 =	vld [tilespmem:s12+$0x3110];
	_ =	sdelay $0x1  }
0xa9: {  	v8 =	vld [tilespmem:s15+$0x3110];
	_ =	sdelay $0x2  }
0xaa: {  	v6 =	vmul.f32 v6, v4;
	v7 =	vmul.f32 v7, v3;
	_ =	sdelay $0x1  }
0xab: {  	v6 =	vadd.f32 v6, v7;
	v7 =	vmul.f32 v8, v5;
	_ =	sdelay $0x1  }
0xac: {  	v6 =	vadd.f32 v7, v6;
	_ =	sdelay $0x1  }
0xad: {  	[tilespmem:s13+$0xFFFFFF90] =	vst v6  }
0xae: {  	v6 =	vld [tilespmem:s12+$0x3120]  }
0xaf: {  	v7 =	vld [tilespmem:s14+$0x3120];
	_ =	sdelay $0x1  }
0xb0: {  	v8 =	vld [tilespmem:s15+$0x3120];
	_ =	sdelay $0x2  }
0xb1: {  	v6 =	vmul.f32 v6, v3;
	v7 =	vmul.f32 v7, v4;
	_ =	sdelay $0x1  }
0xb2: {  	v8 =	vmul.f32 v8, v5;
	v6 =	vadd.f32 v7, v6;
	_ =	sdelay $0x1  }
0xb3: {  	v6 =	vadd.f32 v8, v6;
	_ =	sdelay $0x1  }
0xb4: {  	[tilespmem:s13+$0xFFFFFFA0] =	vst v6  }
0xb5: {  	v6 =	vld [tilespmem:s12+$0x3130]  }
0xb6: {  	v7 =	vld [tilespmem:s14+$0x3130];
	_ =	sdelay $0x1  }
0xb7: {  	v8 =	vld [tilespmem:s15+$0x3130];
	_ =	sdelay $0x2  }
0xb8: {  	v6 =	vmul.f32 v6, v3;
	v7 =	vmul.f32 v7, v4;
	_ =	sdelay $0x1  }
0xb9: {  	v6 =	vadd.f32 v7, v6;
	v7 =	vmul.f32 v8, v5;
	_ =	sdelay $0x1  }
0xba: {  	v6 =	vadd.f32 v7, v6;
	_ =	sdelay $0x1  }
0xbb: {  	[tilespmem:s13+$0xFFFFFFB0] =	vst v6  }
0xbc: {  	v6 =	vld [tilespmem:s12+$0x3140]  }
0xbd: {  	v7 =	vld [tilespmem:s14+$0x3140];
	_ =	sdelay $0x1  }
0xbe: {  	v8 =	vld [tilespmem:s15+$0x3140];
	_ =	sdelay $0x2  }
0xbf: {  	v6 =	vmul.f32 v6, v3;
	v7 =	vmul.f32 v7, v4;
	_ =	sdelay $0x1  }
0xc0: {  	v6 =	vadd.f32 v7, v6;
	v7 =	vmul.f32 v8, v5;
	_ =	sdelay $0x1  }
0xc1: {  	v6 =	vadd.f32 v7, v6;
	_ =	sdelay $0x1  }
0xc2: {  	[tilespmem:s13+$0xFFFFFFC0] =	vst v6  }
0xc3: {  	v6 =	vld [tilespmem:s12+$0x3150]  }
0xc4: {  	v7 =	vld [tilespmem:s14+$0x3150];
	_ =	sdelay $0x1  }
0xc5: {  	v8 =	vld [tilespmem:s15+$0x3150];
	_ =	sdelay $0x2  }
0xc6: {  	v6 =	vmul.f32 v6, v3;
	v7 =	vmul.f32 v7, v4;
	_ =	sdelay $0x1  }
0xc7: {  	v8 =	vmul.f32 v8, v5;
	v6 =	vadd.f32 v7, v6;
	_ =	sdelay $0x1  }
0xc8: {  	v6 =	vadd.f32 v8, v6;
	_ =	sdelay $0x1  }
0xc9: {  	[tilespmem:s13+$0xFFFFFFD0] =	vst v6  }
0xca: {  	v6 =	vld [tilespmem:s12+$0x3160]  }
0xcb: {  	v7 =	vld [tilespmem:s14+$0x3160];
	_ =	sdelay $0x1  }
0xcc: {  	v8 =	vld [tilespmem:s15+$0x3160];
	_ =	sdelay $0x2  }
0xcd: {  	v6 =	vmul.f32 v6, v3;
	v7 =	vmul.f32 v7, v4;
	_ =	sdelay $0x1  }
0xce: {  	v6 =	vadd.f32 v7, v6;
	v7 =	vmul.f32 v8, v5;
	_ =	sdelay $0x1  }
0xcf: {  	v6 =	vadd.f32 v7, v6;
	_ =	sdelay $0x1  }
0xd0: {  	[tilespmem:s13+$0xFFFFFFE0] =	vst v6  }
0xd1: {  	v6 =	vld [tilespmem:s12+$0x3170]  }
0xd2: {  	v7 =	vld [tilespmem:s14+$0x3170];
	_ =	sdelay $0x1  }
0xd3: {  	v8 =	vld [tilespmem:s15+$0x3170];
	_ =	sdelay $0x2  }
0xd4: {  	v6 =	vmul.f32 v6, v3;
	v7 =	vmul.f32 v7, v4;
	_ =	sdelay $0x1  }
0xd5: {  	v8 =	vmul.f32 v8, v5;
	v6 =	vadd.f32 v7, v6;
	_ =	sdelay $0x1  }
0xd6: {  	v6 =	vadd.f32 v8, v6;
	_ =	sdelay $0x1  }
0xd7: {  	[tilespmem:s13+$0xFFFFFFF0] =	vst v6  }
0xd8: {  	v6 =	vld [tilespmem:s12+$0x3500]  }
0xd9: {  	v7 =	vld [tilespmem:s14+$0x3500];
	_ =	sdelay $0x1  }
0xda: {  	v8 =	vld [tilespmem:s15+$0x3500];
	_ =	sdelay $0x2  }
0xdb: {  	v6 =	vmul.f32 v6, v3;
	v7 =	vmul.f32 v7, v4;
	_ =	sdelay $0x1  }
0xdc: {  	v6 =	vadd.f32 v7, v6;
	v7 =	vmul.f32 v8, v5;
	_ =	sdelay $0x1  }
0xdd: {  	v6 =	vadd.f32 v7, v6;
	_ =	sdelay $0x1  }
0xde: {  	[tilespmem:s13+$0x0] =	vst v6  }
0xdf: {  	v6 =	vld [tilespmem:s12+$0x3510]  }
0xe0: {  	v7 =	vld [tilespmem:s14+$0x3510];
	_ =	sdelay $0x1  }
0xe1: {  	v8 =	vld [tilespmem:s15+$0x3510];
	_ =	sdelay $0x2  }
0xe2: {  	v6 =	vmul.f32 v6, v3;
	v7 =	vmul.f32 v7, v4;
	_ =	sdelay $0x1  }
0xe3: {  	v6 =	vadd.f32 v7, v6;
	v7 =	vmul.f32 v8, v5;
	_ =	sdelay $0x1  }
0xe4: {  	v6 =	vadd.f32 v7, v6;
	_ =	sdelay $0x1  }
0xe5: {  	[tilespmem:s13+$0x10] =	vst v6  }
0xe6: {  	v6 =	vld [tilespmem:s12+$0x3520]  }
0xe7: {  	v7 =	vld [tilespmem:s14+$0x3520];
	_ =	sdelay $0x1  }
0xe8: {  	v8 =	vld [tilespmem:s15+$0x3520];
	_ =	sdelay $0x2  }
0xe9: {  	v6 =	vmul.f32 v6, v3;
	v7 =	vmul.f32 v7, v4;
	_ =	sdelay $0x1  }
0xea: {  	v8 =	vmul.f32 v8, v5;
	v6 =	vadd.f32 v7, v6;
	_ =	sdelay $0x1  }
0xeb: {  	v6 =	vadd.f32 v8, v6;
	_ =	sdelay $0x1  }
0xec: {  	[tilespmem:s13+$0x20] =	vst v6  }
0xed: {  	v6 =	vld [tilespmem:s14+$0x3530]  }
0xee: {  	v7 =	vld [tilespmem:s12+$0x3530];
	_ =	sdelay $0x1  }
0xef: {  	v8 =	vld [tilespmem:s15+$0x3530];
	_ =	sdelay $0x2  }
0xf0: {  	v6 =	vmul.f32 v6, v4;
	v7 =	vmul.f32 v7, v3;
	_ =	sdelay $0x1  }
0xf1: {  	v8 =	vmul.f32 v8, v5;
	v6 =	vadd.f32 v6, v7;
	_ =	sdelay $0x1  }
0xf2: {  	v6 =	vadd.f32 v8, v6;
	_ =	sdelay $0x1  }
0xf3: {  	[tilespmem:s13+$0x30] =	vst v6  }
0xf4: {  	v6 =	vld [tilespmem:s12+$0x3540]  }
0xf5: {  	v7 =	vld [tilespmem:s14+$0x3540];
	_ =	sdelay $0x1  }
0xf6: {  	v8 =	vld [tilespmem:s15+$0x3540];
	_ =	sdelay $0x2  }
0xf7: {  	v6 =	vmul.f32 v6, v3;
	v7 =	vmul.f32 v7, v4;
	_ =	sdelay $0x1  }
0xf8: {  	v8 =	vmul.f32 v8, v5;
	v6 =	vadd.f32 v7, v6;
	_ =	sdelay $0x1  }
0xf9: {  	v6 =	vadd.f32 v8, v6;
	_ =	sdelay $0x1  }
0xfa: {  	[tilespmem:s13+$0x40] =	vst v6  }
0xfb: {  	v6 =	vld [tilespmem:s12+$0x3550]  }
0xfc: {  	v7 =	vld [tilespmem:s14+$0x3550];
	_ =	sdelay $0x1  }
0xfd: {  	v8 =	vld [tilespmem:s15+$0x3550];
	_ =	sdelay $0x2  }
0xfe: {  	v6 =	vmul.f32 v6, v3;
	v7 =	vmul.f32 v7, v4;
	_ =	sdelay $0x1  }
0xff: {  	v8 =	vmul.f32 v8, v5;
	v6 =	vadd.f32 v7, v6;
	_ =	sdelay $0x1  }
0x100: {  	s17 =	simm.s32 $0x180;
	s16 =	simm.s32 $0xF180;
	s9 =	smov.u32 s18;
	v6 =	vadd.f32 v8, v6  }
.LBB2_3:
0x101: {  	s11 =	sadd.s32 $0x300, s11;
	s9 =	sadd.s32 $0x3, s9;
	s13 =	sadd.s32 $0x100, s13  }
0x102: {  	p0 =	sne.s32 s17, $0x5E80;
	s19 =	smov.u32 s17;
	s17 =	sadd.s32 $0x180, s17;
	[tilespmem:s16+$0x50] =	vst v6  }
0x103: {  	v6 =	vld [tilespmem:s12+$0x3560]  }
0x104: {  	v7 =	vld [tilespmem:s14+$0x3560]  }
0x105: {  	v8 =	vld [tilespmem:s15+$0x3560];
	_ =	sdelay $0x2  }
0x106: {  	v6 =	vmul.f32 v6, v3  }
0x107: {  	v7 =	vmul.f32 v7, v4  }
0x108: {  	v8 =	vmul.f32 v8, v5  }
0x109: {  	v6 =	vadd.f32 v7, v6;
	_ =	sdelay $0x1  }
0x10a: {  	s20 =	sadd.s32 $0xFFFFFFFE, s9;
	s21 =	sadd.s32 $0xFFFFFFFF, s9;
	v7 =	vmov s9;
	v6 =	vadd.f32 v8, v6  }
0x10b: {  	v9 =	vmov s21;
	v8 =	vmov s20  }
0x10c: {  	[tilespmem:s16+$0x60] =	vst v6  }
0x10d: {  	v6 =	vld [tilespmem:s12+$0x3570]  }
0x10e: {  	v10 =	vld [tilespmem:s14+$0x3570]  }
0x10f: {  	v11 =	vld [tilespmem:s15+$0x3570];
	_ =	sdelay $0x2  }
0x110: {  	v3 =	vmul.f32 v6, v3  }
0x111: {  	v4 =	vmul.f32 v10, v4  }
0x112: {  	v5 =	vmul.f32 v11, v5  }
0x113: {  	v3 =	vadd.f32 v4, v3;
	_ =	sdelay $0x1  }
0x114: {  	v3 =	vadd.f32 v5, v3  }
0x115: {  	s12 =	sand.u32 $0xF800, s11;
	s14 =	sand.u32 $0x380, s19  }
0x116: {  	s12 =	sor.u32 s14, s12;
	[tilespmem:s16+$0x70] =	vst v3;
	s16 =	smov.u32 s13  }
0x117: {  	s14 =	sadd.s32 $0x100, s11;
	s15 =	sadd.s32 $0x80, s19;
	v6 =	vld [tilespmem:s12+$0x3100]  }
0x118: {  	s14 =	sand.u32 $0x1F800, s14;
	s15 =	sand.u32 $0x380, s15;
	v3 =	vld.idx.msk [tilespmem:v8+s8+$0x0], $0xffff  }
0x119: {  	s19 =	sadd.s32 $0x100, s19;
	s14 =	sor.u32 s15, s14;
	s15 =	sadd.s32 $0x200, s11;
	v4 =	vld.idx.msk [tilespmem:v9+s8+$0x0], $0xffff  }
0x11a: {  	s19 =	sand.u32 $0x380, s19;
	s15 =	sand.u32 $0x1F800, s15;
	v8 =	vld [tilespmem:s14+$0x3100]  }
0x11b: {  	s15 =	sor.u32 s19, s15;
	v5 =	vld.idx.msk [tilespmem:v7+s8+$0x0], $0xffff  }
0x11c: {  	v7 =	vld [tilespmem:s15+$0x3100];
	_ =	sdelay $0x1  }
0x11d: {  	v6 =	vmul.f32 v6, v3  }
0x11e: {  	v8 =	vmul.f32 v8, v4;
	_ =	sdelay $0x1  }
0x11f: {  	v6 =	vadd.f32 v8, v6;
	v7 =	vmul.f32 v7, v5;
	_ =	sdelay $0x1  }
0x120: {  	v6 =	vadd.f32 v7, v6;
	_ =	sdelay $0x1  }
0x121: {  	[tilespmem:s13+$0xFFFFFF80] =	vst v6  }
0x122: {  	v6 =	vld [tilespmem:s14+$0x3110]  }
0x123: {  	v7 =	vld [tilespmem:s12+$0x3110];
	_ =	sdelay $0x1  }
0x124: {  	v8 =	vld [tilespmem:s15+$0x3110];
	_ =	sdelay $0x1  }
0x125: {  	v6 =	vmul.f32 v6, v4  }
0x126: {  	v7 =	vmul.f32 v7, v3;
	_ =	sdelay $0x1  }
0x127: {  	v6 =	vadd.f32 v6, v7;
	v7 =	vmul.f32 v8, v5;
	_ =	sdelay $0x1  }
0x128: {  	v6 =	vadd.f32 v7, v6;
	_ =	sdelay $0x1  }
0x129: {  	[tilespmem:s13+$0xFFFFFF90] =	vst v6  }
0x12a: {  	v6 =	vld [tilespmem:s12+$0x3120]  }
0x12b: {  	v7 =	vld [tilespmem:s14+$0x3120]  }
0x12c: {  	v8 =	vld [tilespmem:s15+$0x3120];
	_ =	sdelay $0x2  }
0x12d: {  	v6 =	vmul.f32 v6, v3  }
0x12e: {  	v7 =	vmul.f32 v7, v4  }
0x12f: {  	v8 =	vmul.f32 v8, v5  }
0x130: {  	v6 =	vadd.f32 v7, v6;
	_ =	sdelay $0x1  }
0x131: {  	v6 =	vadd.f32 v8, v6;
	_ =	sdelay $0x1  }
0x132: {  	[tilespmem:s13+$0xFFFFFFA0] =	vst v6  }
0x133: {  	v6 =	vld [tilespmem:s12+$0x3130]  }
0x134: {  	v7 =	vld [tilespmem:s14+$0x3130];
	_ =	sdelay $0x1  }
0x135: {  	v8 =	vld [tilespmem:s15+$0x3130];
	_ =	sdelay $0x1  }
0x136: {  	v6 =	vmul.f32 v6, v3  }
0x137: {  	v7 =	vmul.f32 v7, v4;
	_ =	sdelay $0x1  }
0x138: {  	v6 =	vadd.f32 v7, v6;
	v7 =	vmul.f32 v8, v5;
	_ =	sdelay $0x1  }
0x139: {  	v6 =	vadd.f32 v7, v6;
	_ =	sdelay $0x1  }
0x13a: {  	[tilespmem:s13+$0xFFFFFFB0] =	vst v6  }
0x13b: {  	v6 =	vld [tilespmem:s12+$0x3140]  }
0x13c: {  	v7 =	vld [tilespmem:s14+$0x3140]  }
0x13d: {  	v8 =	vld [tilespmem:s15+$0x3140];
	_ =	sdelay $0x2  }
0x13e: {  	v6 =	vmul.f32 v6, v3  }
0x13f: {  	v7 =	vmul.f32 v7, v4;
	_ =	sdelay $0x1  }
0x140: {  	v6 =	vadd.f32 v7, v6;
	v7 =	vmul.f32 v8, v5;
	_ =	sdelay $0x1  }
0x141: {  	v6 =	vadd.f32 v7, v6;
	_ =	sdelay $0x1  }
0x142: {  	[tilespmem:s13+$0xFFFFFFC0] =	vst v6  }
0x143: {  	v6 =	vld [tilespmem:s12+$0x3150]  }
0x144: {  	v7 =	vld [tilespmem:s14+$0x3150]  }
0x145: {  	v8 =	vld [tilespmem:s15+$0x3150];
	_ =	sdelay $0x2  }
0x146: {  	v6 =	vmul.f32 v6, v3  }
0x147: {  	v7 =	vmul.f32 v7, v4  }
0x148: {  	v8 =	vmul.f32 v8, v5  }
0x149: {  	v6 =	vadd.f32 v7, v6;
	_ =	sdelay $0x1  }
0x14a: {  	v6 =	vadd.f32 v8, v6;
	_ =	sdelay $0x1  }
0x14b: {  	[tilespmem:s13+$0xFFFFFFD0] =	vst v6  }
0x14c: {  	v6 =	vld [tilespmem:s12+$0x3160]  }
0x14d: {  	v7 =	vld [tilespmem:s14+$0x3160];
	_ =	sdelay $0x1  }
0x14e: {  	v8 =	vld [tilespmem:s15+$0x3160];
	_ =	sdelay $0x1  }
0x14f: {  	v6 =	vmul.f32 v6, v3  }
0x150: {  	v7 =	vmul.f32 v7, v4;
	_ =	sdelay $0x1  }
0x151: {  	v6 =	vadd.f32 v7, v6;
	v7 =	vmul.f32 v8, v5;
	_ =	sdelay $0x1  }
0x152: {  	v6 =	vadd.f32 v7, v6;
	_ =	sdelay $0x1  }
0x153: {  	[tilespmem:s13+$0xFFFFFFE0] =	vst v6  }
0x154: {  	v6 =	vld [tilespmem:s12+$0x3170]  }
0x155: {  	v7 =	vld [tilespmem:s14+$0x3170]  }
0x156: {  	v8 =	vld [tilespmem:s15+$0x3170];
	_ =	sdelay $0x2  }
0x157: {  	v6 =	vmul.f32 v6, v3  }
0x158: {  	v7 =	vmul.f32 v7, v4  }
0x159: {  	v8 =	vmul.f32 v8, v5  }
0x15a: {  	v6 =	vadd.f32 v7, v6;
	_ =	sdelay $0x1  }
0x15b: {  	v6 =	vadd.f32 v8, v6;
	_ =	sdelay $0x1  }
0x15c: {  	[tilespmem:s13+$0xFFFFFFF0] =	vst v6  }
0x15d: {  	v6 =	vld [tilespmem:s12+$0x3500]  }
0x15e: {  	v7 =	vld [tilespmem:s14+$0x3500]  }
0x15f: {  	v8 =	vld [tilespmem:s15+$0x3500];
	_ =	sdelay $0x2  }
0x160: {  	v6 =	vmul.f32 v6, v3  }
0x161: {  	v7 =	vmul.f32 v7, v4;
	_ =	sdelay $0x1  }
0x162: {  	v6 =	vadd.f32 v7, v6;
	v7 =	vmul.f32 v8, v5;
	_ =	sdelay $0x1  }
0x163: {  	v6 =	vadd.f32 v7, v6;
	_ =	sdelay $0x1  }
0x164: {  	[tilespmem:s13+$0x0] =	vst v6  }
0x165: {  	v6 =	vld [tilespmem:s12+$0x3510]  }
0x166: {  	v7 =	vld [tilespmem:s14+$0x3510]  }
0x167: {  	v8 =	vld [tilespmem:s15+$0x3510];
	_ =	sdelay $0x2  }
0x168: {  	v6 =	vmul.f32 v6, v3  }
0x169: {  	v7 =	vmul.f32 v7, v4;
	_ =	sdelay $0x1  }
0x16a: {  	v6 =	vadd.f32 v7, v6;
	v7 =	vmul.f32 v8, v5;
	_ =	sdelay $0x1  }
0x16b: {  	v6 =	vadd.f32 v7, v6;
	_ =	sdelay $0x1  }
0x16c: {  	[tilespmem:s13+$0x10] =	vst v6  }
0x16d: {  	v6 =	vld [tilespmem:s12+$0x3520]  }
0x16e: {  	v7 =	vld [tilespmem:s14+$0x3520]  }
0x16f: {  	v8 =	vld [tilespmem:s15+$0x3520];
	_ =	sdelay $0x2  }
0x170: {  	v6 =	vmul.f32 v6, v3  }
0x171: {  	v7 =	vmul.f32 v7, v4  }
0x172: {  	v8 =	vmul.f32 v8, v5  }
0x173: {  	v6 =	vadd.f32 v7, v6;
	_ =	sdelay $0x1  }
0x174: {  	v6 =	vadd.f32 v8, v6;
	_ =	sdelay $0x1  }
0x175: {  	[tilespmem:s13+$0x20] =	vst v6  }
0x176: {  	v6 =	vld [tilespmem:s14+$0x3530]  }
0x177: {  	v7 =	vld [tilespmem:s12+$0x3530]  }
0x178: {  	v8 =	vld [tilespmem:s15+$0x3530];
	_ =	sdelay $0x2  }
0x179: {  	v6 =	vmul.f32 v6, v4  }
0x17a: {  	v7 =	vmul.f32 v7, v3  }
0x17b: {  	v8 =	vmul.f32 v8, v5  }
0x17c: {  	v6 =	vadd.f32 v6, v7;
	_ =	sdelay $0x1  }
0x17d: {  	v6 =	vadd.f32 v8, v6;
	_ =	sdelay $0x1  }
0x17e: {  	[tilespmem:s13+$0x30] =	vst v6  }
0x17f: {  	v6 =	vld [tilespmem:s12+$0x3540]  }
0x180: {  	v7 =	vld [tilespmem:s14+$0x3540]  }
0x181: {  	v8 =	vld [tilespmem:s15+$0x3540];
	_ =	sdelay $0x2  }
0x182: {  	v6 =	vmul.f32 v6, v3  }
0x183: {  	v7 =	vmul.f32 v7, v4  }
0x184: {  	v8 =	vmul.f32 v8, v5  }
0x185: {  	v6 =	vadd.f32 v7, v6;
	_ =	sdelay $0x1  }
0x186: {  	v6 =	vadd.f32 v8, v6;
	_ =	sdelay $0x1  }
0x187: {  	[tilespmem:s13+$0x40] =	vst v6  }
0x188: {  	v6 =	vld [tilespmem:s12+$0x3550]  }
0x189: {  	v7 =	vld [tilespmem:s14+$0x3550]  }
0x18a: {  	v8 =	vld [tilespmem:s15+$0x3550];
	_ =	sdelay $0x2  }
0x18b: {  	v6 =	vmul.f32 v6, v3  }
.Ltmp0:
0x18c: {  	v7 =	vmul.f32 v7, v4;
	(pc) =	sbr.rel @p0 .LBB2_3-.Ltmp0, $3  }
0x18d: {  	v8 =	vmul.f32 v8, v5  }
0x18e: {  	v6 =	vadd.f32 v7, v6;
	_ =	sdelay $0x1  }
0x18f: {  	v6 =	vadd.f32 v8, v6  }
0x190: {  	_ = 	snop  }
0x191: {  	[tilespmem:s16+$0x50] =	vst v6  }
0x192: {  	v6 =	vld [tilespmem:s12+$0x3560]  }
0x193: {  	v7 =	vld [tilespmem:s14+$0x3560];
	_ =	sdelay $0x1  }
0x194: {  	v8 =	vld [tilespmem:s15+$0x3560];
	_ =	sdelay $0x2  }
0x195: {  	v6 =	vmul.f32 v6, v3;
	v7 =	vmul.f32 v7, v4;
	_ =	sdelay $0x1  }
0x196: {  	v8 =	vmul.f32 v8, v5;
	v6 =	vadd.f32 v7, v6;
	_ =	sdelay $0x1  }
0x197: {  	v6 =	vadd.f32 v8, v6;
	_ =	sdelay $0x1  }
0x198: {  	[tilespmem:s16+$0x60] =	vst v6  }
0x199: {  	v6 =	vld [tilespmem:s12+$0x3570]  }
0x19a: {  	v60 =	vld [tilespmem:s14+$0x3570];
	_ =	sdelay $0x1  }
0x19b: {  	v61 =	vld [tilespmem:s15+$0x3570];
	_ =	sdelay $0x2  }
0x19c: {  	v3 =	vmul.f32 v6, v3;
	v62 =	vmul.f32 v60, v4;
	_ =	sdelay $0x1  }
0x19d: {  	v63 =	vmul.f32 v61, v5;
	v3 =	vadd.f32 v62, v3;
	_ =	sdelay $0x1  }
0x19e: {  	s9 =	sshll.u32 s10, $0xB;
	s10 =	sadd.s32 $0x1, s10;
	v3 =	vadd.f32 v63, v3  }
0x19f: {  	p0 =	sne.s32 s10, $0x20  }
.Ltmp1:
0x1a0: {  	s9 =	sadd.s32 s9, s6;
	[tilespmem:s16+$0x70] =	vst v3;
	(pc) =	sbr.rel @p0 .LBB2_2-.Ltmp1, $4  }
0x1a1: {  	[hbm4b:s9+s3] =	stream.linear.scatter [tilespmem:s5], [sflag:$0x2], $0x4000, $0x38;
	[tilespmem:$0x13100] =	vst v63  }
0x1a2: {  	_ =	swait.ge [sflag:s7], $0x4000  }
0x1a3: {  	[sflag:s7] =	ssyncset.done $0x0  }
0x1a4: {  	s18 =	sadd.s32 $0xC0, s18;
	[sflag:s7] =	ssyncadd.s32 $0xFFFFC000  }
0x1a5: {  	s10 =	rddreg [dreg:$0x6]  }
0x1a6: {  	s9 =	rddreg [dreg:$0x5];
	s10 =	sadd.s32 $0x1, s10  }
0x1a7: {  	p0 =	sne.s32 s10, s9  }
.Ltmp2:
0x1a8: {  	_ = 	snop;
	(pc) =	sbr.rel @p0 .LBB2_1-.Ltmp2, $1  }
0x1a9: {  	_ =	sdelay $0x3  }
0x1aa: {  	_ =	sfence.sel $0x180000  }
0x1ab: {  	[bflag:$0x0] =	sbarrier.arrive $0xFFFF  }
0x1ac: {  	_ =	strace $0x90000047  }
0x1ad: {  	s0 =	stileid.u32;
	[bflag:$0x2] =	sbarrier.arrive $0xFFFF  }
0x1ae: {  	p0 =	sne.s32 s0, $0x0;
	s0 =	rddreg [dreg:$0x2]  }
0x1af: {  	s0 =	sadd.s32 @!p0 $0x100000, s0  }
0x1b0: {  	[sflag:s0] =	ssyncadd.tile.s32 @!p0 $0x1;
	_ =	shalt  }
.Lfunc_end2:
_tile_overlayer_lowered:
.L_overlay_start_2:
0x1b1: {  	(tag) =	ssettag $0x2  }
0x1b2: {  	s0 =	rddreg [dreg:$0x0];
	s2 =	stileid.u32  }
0x1b3: {  	s1 =	rddreg [dreg:$0x1];
	p0 =	sne.s32 s2, $0x0  }
0x1b4: {  	s3 =	rddreg [dreg:$0x2];
	[bflag:$0x3] =	sbarrier.arrive $0xFFFF;
	s2 =	simm.s32 @!p0 $0x1C02  }
0x1b5: {  	[timem:s3], [sflag:s2] =	dma.local @!p0 [hbm:s0], s1  }
0x1b6: {  	s0 =	simm.s32 @!p0 $0x2  }
0x1b7: {  	_ =	swait.ge @!p0 [sflag:s0], s1  }
0x1b8: {  	s1 =	ssub.s32 @!p0 $0x0, s1;
	[sflag:s0] =	ssyncset.done @!p0 $0x0  }
0x1b9: {  	[sflag:s0] =	ssyncadd.s32 @!p0 s1  }
0x1ba: {  	[bflag:$0x3] =	sbarrier.arrive $0xFFFF  }
0x1bb: {  	_ =	shalt  }

</sc_bundles>
